<compile_context>
chip_gen: v7x
topology: tpu7x:2x2x1
jax: 0.10.2.dev20260603
libtpu: 0.0.44.dev20260713+nightly
codegen_flags: <defaults>
</compile_context>

<pallas_src>
import functools

import jax
import jax.numpy as jnp
from jax import lax
from jax.experimental import pallas as pl
from jax.experimental.pallas import tpu as pltpu
from jax.experimental.pallas import tpu_sc as plsc

_B, _C, _H, _W = 8, 19, 512, 512
_NC, _NS = 2, 16
_NW = _NC * _NS
_BSC = 4
_RPW = (_BSC * _H) // _NW
_SR = 8
_NSLAB = _RPW // _SR
_QW = 128
_NQ = _W // _QW
_NBUF = _NQ

_HB = 64
_mesh = plsc.VectorSubcoreMesh(core_axis_name="c", subcore_axis_name="s")


@functools.partial(
    pl.kernel,
    out_type=jax.ShapeDtypeStruct((_NW, 16), jnp.float32),
    mesh=_mesh,
    compiler_params=pltpu.CompilerParams(needs_layout_passes=False),
    scratch_types=[
        pltpu.VMEM((_NBUF, _C, _SR, _QW), jnp.float32),
        pltpu.VMEM((2, _SR, _W), jnp.int32),
        pltpu.VMEM((2, _SR, _W), jnp.int32),
        pltpu.VMEM((16,), jnp.float32),
        pltpu.SemaphoreType.DMA((_NBUF,)),
        pltpu.SemaphoreType.DMA((2,)),
        pltpu.SemaphoreType.DMA((2,)),
    ],
)
def _partials(z_hbm, l_hbm, c_hbm, out_hbm,
              zq, lb, cb, acc_v, sem_z, sem_l, sem_c):
    cid = lax.axis_index("c")
    sid = lax.axis_index("s")
    wid = sid * _NC + cid
    row_base = wid * _RPW
    iota = lax.iota(jnp.int32, 16)

    def rowspec(s):
        g = row_base + s * _SR
        return g // _H, g % _H

    def z_desc(s, k):
        b, h0 = rowspec(s)
        return pltpu.make_async_copy(
            z_hbm.at[b, :, pl.ds(h0, _SR), pl.ds(k * _QW, _QW)],
            zq.at[k], sem_z.at[k])

    def l_desc(s):
        b, h0 = rowspec(s)
        return pltpu.make_async_copy(
            l_hbm.at[b, pl.ds(h0, _SR), :], lb.at[s % 2], sem_l.at[s % 2])

    def c_desc(s):
        b, h0 = rowspec(s)
        return pltpu.make_async_copy(
            c_hbm.at[b, pl.ds(h0, _SR), :], cb.at[s % 2], sem_c.at[s % 2])

    l_desc(0).start()
    c_desc(0).start()
    for k in range(_NBUF):
        z_desc(0, k).start()

    def slab_body(s, total):
        @pl.when(s + 1 < _NSLAB)
        def _():
            l_desc(s + 1).start()
            c_desc(s + 1).start()
        l_desc(s).wait()
        c_desc(s).wait()

        for k in range(_NQ):
            z_desc(s, k).wait()
            zref = zq.at[k]

            def body(i, acc):
                hl = i >> 3
                jj = i & 7
                lv = lb[s % 2, hl, pl.ds(k * _QW + jj * 16, 16)]
                cv = cb[s % 2, hl, pl.ds(k * _QW + jj * 16, 16)]
                hvec = jnp.full((16,), hl, jnp.int32)
                wvec = jj * 16 + iota
                gv = plsc.load_gather(zref, [lv, hvec, wvec])
                return acc + jnp.where(cv > 0, gv,
                                       jnp.zeros((16,), jnp.float32))

            qacc = lax.fori_loop(0, (_SR * _QW) // 16, body,
                                 jnp.zeros((16,), jnp.float32))
            total = total + qacc

            @pl.when(s + 1 < _NSLAB)
            def _():
                z_desc(s + 1, k).start()
        return total

    total = lax.fori_loop(0, _NSLAB, slab_body,
                          jnp.zeros((16,), jnp.float32))
    acc_v[...] = total
    pltpu.sync_copy(acc_v, out_hbm.at[wid])


def _tc_body(z_ref, l_ref, c_ref, out_ref):
    bi = pl.program_id(0)
    hi = pl.program_id(1)

    @pl.when((bi == 0) & (hi == 0))
    def _():
        out_ref[...] = jnp.zeros((8, 128), jnp.float32)

    lv = l_ref[0]
    cv = c_ref[0]
    acc = jnp.zeros((_HB, _W), jnp.float32)
    for c in range(_C):
        acc = acc + jnp.where(lv == c, z_ref[0, c], 0.0)
    acc = jnp.where(cv > 0, acc, 0.0)
    out_ref[...] += jnp.sum(acc.reshape(8, 8, 4, 128), axis=(1, 2))


def _tc_partial(z_tc, l_tc, c_tc):
    nb = _B - _BSC
    return pl.pallas_call(
        _tc_body,
        grid=(nb, _H // _HB),
        in_specs=[
            pl.BlockSpec((1, _C, _HB, _W),
                         lambda bi, hi: (bi + _BSC, 0, hi, 0)),
            pl.BlockSpec((1, _HB, _W), lambda bi, hi: (bi + _BSC, hi, 0)),
            pl.BlockSpec((1, _HB, _W), lambda bi, hi: (bi + _BSC, hi, 0)),
        ],
        out_specs=pl.BlockSpec((8, 128), lambda bi, hi: (0, 0)),
        out_shape=jax.ShapeDtypeStruct((8, 128), jnp.float32),
        compiler_params=pltpu.CompilerParams(
            dimension_semantics=("arbitrary", "arbitrary")),
    )(z_tc, l_tc, c_tc)


def _finish_body(p_ref, t_ref, out_ref):
    s = jnp.sum(p_ref[...]) + jnp.sum(t_ref[...])
    out_ref[...] = jnp.full((8, 128), s, jnp.float32)


def _finish(parts, tc_part):
    return pl.pallas_call(
        _finish_body,
        out_shape=jax.ShapeDtypeStruct((8, 128), jnp.float32),
    )(parts, tc_part)


def kernel(z, condition, l):
    cf = condition.astype(jnp.int32)
    parts = _partials(z, l, cf)
    tc_part = _tc_partial(z, l, cf)
    out = _finish(parts, tc_part)
    return out[0, 0]

# --- scband reference (transcript-rebuilt; emitter-appended) ---
"""Pipeline reference for scband-untargeted-loss-38259568673343 (READ-ONLY COPY).

The authoritative reference and input builder live on the scoring server;
editing this copy changes nothing except your own understanding.
"""

import jax, jax.numpy as jnp
import numpy as np


def setup_inputs(seed: int = 0) -> dict:
    key = jax.random.key(seed)
    k1, k2, k3 = jax.random.split(key, 3)
    B, C, H, W = 8, 19, 512, 512
    z = jax.random.normal(k1, (B, C, H, W), dtype=jnp.float32)
    condition = jax.random.randint(k2, (B, H, W), 0, 2, dtype=jnp.int32).astype(jnp.bool_)
    l = jax.random.randint(k3, (B, H, W), 0, C, dtype=jnp.int32)
    return {"z": z, "condition": condition, "l": l}


def reference(z, condition, l):
    # torch: indices = where(condition); z_good = z[i0, l[i0,i1,i2], i1, i2]; loss = sum(z_good)
    # Equivalent static-shape formulation: gather class channel per pixel via l, mask by condition, sum.
    gathered = jnp.take_along_axis(z, l[:, None, :, :].astype(jnp.int32), axis=1)[:, 0]  # [B, H, W]
    loss = jnp.sum(jnp.where(condition, gathered, jnp.zeros_like(gathered)))
    return loss

if __name__ == "__main__":
    import jax
    _d = setup_inputs()
    print(jax.jit(kernel)(*tuple(_d.values())))

</pallas_src>

<mosaic_0001>
#map = affine_map<(d0, d1) -> (0, 0, 0, 0)>
#map1 = affine_map<(d0, d1) -> (0, 0, 0)>
#map2 = affine_map<(d0, d1) -> (0, 0)>
module attributes {stable_mosaic.version = 14 : i64} {
  func.func @_partials(%arg0: i32, %arg1: i32, %arg2: memref<8x19x512x512xf32, #tpu.memory_space<hbm>>, %arg3: memref<8x512x512xi32, #tpu.memory_space<hbm>>, %arg4: memref<8x512x512xi32, #tpu.memory_space<hbm>>, %arg5: memref<32x16xf32, #tpu.memory_space<hbm>>, %arg6: memref<4x19x8x128xf32, #tpu.memory_space<vmem>>, %arg7: memref<2x8x512xi32, #tpu.memory_space<vmem>>, %arg8: memref<2x8x512xi32, #tpu.memory_space<vmem>>, %arg9: memref<16xf32, #tpu.memory_space<vmem>>, %arg10: memref<4x!tpu.dma_semaphore, #tpu.memory_space<semaphore_mem>>, %arg11: memref<2x!tpu.dma_semaphore, #tpu.memory_space<semaphore_mem>>, %arg12: memref<2x!tpu.dma_semaphore, #tpu.memory_space<semaphore_mem>>) attributes {dimension_semantics = [#tpu.dimension_semantics<core_parallel>, #tpu.dimension_semantics<subcore_parallel>], iteration_bounds = array<i64: 2, 16>, scalar_prefetch = 0 : i64, scratch_operands = 7 : i64, tpu.core_type = #tpu.core_type<sc_vector_subcore>, window_params = [{transform_indices = #map}, {transform_indices = #map1}, {transform_indices = #map1}, {transform_indices = #map2}]} {
    %mul3A = arith.constant 2 : i32
    %mul3A_0 = arith.muli %arg1, %mul3A : i32
    %add3A = arith.addi %mul3A_0, %arg0 : i32
    %mul3A_1 = arith.constant 64 : i32
    %mul3A_2 = arith.muli %add3A, %mul3A_1 : i32
    %iota3A = tpu.iota {dimensions = array<i32: 0>} : vector<16xi32>
    %add3A_3 = arith.constant 0 : i32
    %add3A_4 = arith.addi %mul3A_2, %add3A_3 : i32
    %jit3A = arith.constant 512 : i32
    %div3A = arith.divsi %add3A_4, %jit3A : i32
    %sign3A = arith.constant 0 : i32
    %sign3A_5 = arith.cmpi sgt, %add3A_4, %sign3A : i32
    %sign3A_6 = arith.extui %sign3A_5 : i1 to i32
    %sign3A_7 = arith.constant 0 : i32
    %sign3A_8 = arith.cmpi slt, %add3A_4, %sign3A_7 : i32
    %sign3A_9 = arith.extui %sign3A_8 : i1 to i32
    %sign3A_10 = arith.subi %sign3A_6, %sign3A_9 : i32
    %sign3A_11 = arith.constant 0 : i32
    %sign3A_12 = arith.cmpi sgt, %jit3A, %sign3A_11 : i32
    %sign3A_13 = arith.extui %sign3A_12 : i1 to i32
    %sign3A_14 = arith.constant 0 : i32
    %sign3A_15 = arith.cmpi slt, %jit3A, %sign3A_14 : i32
    %sign3A_16 = arith.extui %sign3A_15 : i1 to i32
    %sign3A_17 = arith.subi %sign3A_13, %sign3A_16 : i32
    %ne3A = arith.cmpi ne, %sign3A_10, %sign3A_17 : i32
    %rem3A = arith.remsi %add3A_4, %jit3A : i32
    %ne3A_18 = arith.constant 0 : i32
    %ne3A_19 = arith.cmpi ne, %rem3A, %ne3A_18 : i32
    %and3A = arith.andi %ne3A, %ne3A_19 : i1
    %sub3A = arith.constant 1 : i32
    %sub3A_20 = arith.subi %div3A, %sub3A : i32
    %select_n3A = arith.select %and3A, %sub3A_20, %div3A : i32
    %jit3A_21 = arith.constant 512 : i32
    %eq3A = arith.constant 0 : i32
    %eq3A_22 = arith.cmpi eq, %jit3A_21, %eq3A : i32
    %jit3A_23 = arith.constant 1 : i32
    %select_n3A_24 = arith.select %eq3A_22, %jit3A_23, %jit3A_21 : i32
    %rem3A_25 = arith.remsi %add3A_4, %select_n3A_24 : i32
    %ne3A_26 = arith.constant 0 : i32
    %ne3A_27 = arith.cmpi ne, %rem3A_25, %ne3A_26 : i32
    %lt3A = arith.constant 0 : i32
    %lt3A_28 = arith.cmpi slt, %rem3A_25, %lt3A : i32
    %lt3A_29 = arith.constant 0 : i32
    %lt3A_30 = arith.cmpi slt, %select_n3A_24, %lt3A_29 : i32
    %ne3A_31 = arith.xori %lt3A_28, %lt3A_30 : i1
    %and3A_32 = arith.andi %ne3A_31, %ne3A_27 : i1
    %add3A_33 = arith.addi %rem3A_25, %select_n3A_24 : i32
    %select_n3A_34 = arith.select %and3A_32, %add3A_33, %rem3A_25 : i32
    %dma_start3A = arith.constant 0 : i32
    %dma_start3A_35 = arith.constant 0 : i32
    %dma_start3A_36 = arith.constant 0 : i32
    %dma_start3A_37 = arith.constant 0 : i32
    %dma_start3A_38 = tpu.memref_slice %arg7[%dma_start3A, %dma_start3A_36, %dma_start3A_37] : memref<2x8x512xi32, #tpu.memory_space<vmem>> -> memref<1x8x512xi32, #tpu.memory_space<vmem>>
    %dma_start3A_39 = tpu.memref_squeeze %dma_start3A_38 : memref<1x8x512xi32, #tpu.memory_space<vmem>> -> memref<8x512xi32, #tpu.memory_space<vmem>>
    %dma_start3A_40 = arith.constant 0 : i32
    %dma_start3A_41 = tpu.memref_slice %arg3[%select_n3A, %select_n3A_34, %dma_start3A_40] : memref<8x512x512xi32, #tpu.memory_space<hbm>> -> memref<1x8x512xi32, #tpu.memory_space<hbm>>
    %dma_start3A_42 = tpu.memref_squeeze %dma_start3A_41 : memref<1x8x512xi32, #tpu.memory_space<hbm>> -> memref<8x512xi32, #tpu.memory_space<hbm>>
    %dma_start3A_43 = tpu.memref_slice %arg11[%dma_start3A_35] : memref<2x!tpu.dma_semaphore, #tpu.memory_space<semaphore_mem>> -> memref<1x!tpu.dma_semaphore, #tpu.memory_space<semaphore_mem>>
    %dma_start3A_44 = tpu.memref_squeeze %dma_start3A_43 : memref<1x!tpu.dma_semaphore, #tpu.memory_space<semaphore_mem>> -> memref<!tpu.dma_semaphore, #tpu.memory_space<semaphore_mem>>
    %dma_start3A_45 = arith.constant 0 : i32
    %dma_start3A_46 = arith.constant 0 : i32
    %dma_start3A_47 = tpu.memref_slice %arg7[%dma_start3A, %dma_start3A_45, %dma_start3A_46] : memref<2x8x512xi32, #tpu.memory_space<vmem>> -> memref<1x8x512xi32, #tpu.memory_space<vmem>>
    %dma_start3A_48 = tpu.memref_squeeze %dma_start3A_47 : memref<1x8x512xi32, #tpu.memory_space<vmem>> -> memref<8x512xi32, #tpu.memory_space<vmem>>
    %dma_start3A_49 = arith.constant 0 : i32
    %dma_start3A_50 = tpu.memref_slice %arg3[%select_n3A, %select_n3A_34, %dma_start3A_49] : memref<8x512x512xi32, #tpu.memory_space<hbm>> -> memref<1x8x512xi32, #tpu.memory_space<hbm>>
    %dma_start3A_51 = tpu.memref_squeeze %dma_start3A_50 : memref<1x8x512xi32, #tpu.memory_space<hbm>> -> memref<8x512xi32, #tpu.memory_space<hbm>>
    tpu.enqueue_dma source(%dma_start3A_51 : memref<8x512xi32, #tpu.memory_space<hbm>>) target(%dma_start3A_48 : memref<8x512xi32, #tpu.memory_space<vmem>>) target_semaphore(%dma_start3A_44 : memref<!tpu.dma_semaphore, #tpu.memory_space<semaphore_mem>>)
    %add3A_52 = arith.constant 0 : i32
    %add3A_53 = arith.addi %mul3A_2, %add3A_52 : i32
    %jit3A_54 = arith.constant 512 : i32
    %div3A_55 = arith.divsi %add3A_53, %jit3A_54 : i32
    %sign3A_56 = arith.constant 0 : i32
    %sign3A_57 = arith.cmpi sgt, %add3A_53, %sign3A_56 : i32
    %sign3A_58 = arith.extui %sign3A_57 : i1 to i32
    %sign3A_59 = arith.constant 0 : i32
    %sign3A_60 = arith.cmpi slt, %add3A_53, %sign3A_59 : i32
    %sign3A_61 = arith.extui %sign3A_60 : i1 to i32
    %sign3A_62 = arith.subi %sign3A_58, %sign3A_61 : i32
    %sign3A_63 = arith.constant 0 : i32
    %sign3A_64 = arith.cmpi sgt, %jit3A_54, %sign3A_63 : i32
    %sign3A_65 = arith.extui %sign3A_64 : i1 to i32
    %sign3A_66 = arith.constant 0 : i32
    %sign3A_67 = arith.cmpi slt, %jit3A_54, %sign3A_66 : i32
    %sign3A_68 = arith.extui %sign3A_67 : i1 to i32
    %sign3A_69 = arith.subi %sign3A_65, %sign3A_68 : i32
    %ne3A_70 = arith.cmpi ne, %sign3A_62, %sign3A_69 : i32
    %rem3A_71 = arith.remsi %add3A_53, %jit3A_54 : i32
    %ne3A_72 = arith.constant 0 : i32
    %ne3A_73 = arith.cmpi ne, %rem3A_71, %ne3A_72 : i32
    %and3A_74 = arith.andi %ne3A_70, %ne3A_73 : i1
    %sub3A_75 = arith.constant 1 : i32
    %sub3A_76 = arith.subi %div3A_55, %sub3A_75 : i32
    %select_n3A_77 = arith.select %and3A_74, %sub3A_76, %div3A_55 : i32
    %jit3A_78 = arith.constant 512 : i32
    %eq3A_79 = arith.constant 0 : i32
    %eq3A_80 = arith.cmpi eq, %jit3A_78, %eq3A_79 : i32
    %jit3A_81 = arith.constant 1 : i32
    %select_n3A_82 = arith.select %eq3A_80, %jit3A_81, %jit3A_78 : i32
    %rem3A_83 = arith.remsi %add3A_53, %select_n3A_82 : i32
    %ne3A_84 = arith.constant 0 : i32
    %ne3A_85 = arith.cmpi ne, %rem3A_83, %ne3A_84 : i32
    %lt3A_86 = arith.constant 0 : i32
    %lt3A_87 = arith.cmpi slt, %rem3A_83, %lt3A_86 : i32
    %lt3A_88 = arith.constant 0 : i32
    %lt3A_89 = arith.cmpi slt, %select_n3A_82, %lt3A_88 : i32
    %ne3A_90 = arith.xori %lt3A_87, %lt3A_89 : i1
    %and3A_91 = arith.andi %ne3A_90, %ne3A_85 : i1
    %add3A_92 = arith.addi %rem3A_83, %select_n3A_82 : i32
    %select_n3A_93 = arith.select %and3A_91, %add3A_92, %rem3A_83 : i32
    %dma_start3A_94 = arith.constant 0 : i32
    %dma_start3A_95 = arith.constant 0 : i32
    %dma_start3A_96 = arith.constant 0 : i32
    %dma_start3A_97 = arith.constant 0 : i32
    %dma_start3A_98 = tpu.memref_slice %arg8[%dma_start3A_94, %dma_start3A_96, %dma_start3A_97] : memref<2x8x512xi32, #tpu.memory_space<vmem>> -> memref<1x8x512xi32, #tpu.memory_space<vmem>>
    %dma_start3A_99 = tpu.memref_squeeze %dma_start3A_98 : memref<1x8x512xi32, #tpu.memory_space<vmem>> -> memref<8x512xi32, #tpu.memory_space<vmem>>
    %dma_start3A_100 = arith.constant 0 : i32
    %dma_start3A_101 = tpu.memref_slice %arg4[%select_n3A_77, %select_n3A_93, %dma_start3A_100] : memref<8x512x512xi32, #tpu.memory_space<hbm>> -> memref<1x8x512xi32, #tpu.memory_space<hbm>>
    %dma_start3A_102 = tpu.memref_squeeze %dma_start3A_101 : memref<1x8x512xi32, #tpu.memory_space<hbm>> -> memref<8x512xi32, #tpu.memory_space<hbm>>
    %dma_start3A_103 = tpu.memref_slice %arg12[%dma_start3A_95] : memref<2x!tpu.dma_semaphore, #tpu.memory_space<semaphore_mem>> -> memref<1x!tpu.dma_semaphore, #tpu.memory_space<semaphore_mem>>
    %dma_start3A_104 = tpu.memref_squeeze %dma_start3A_103 : memref<1x!tpu.dma_semaphore, #tpu.memory_space<semaphore_mem>> -> memref<!tpu.dma_semaphore, #tpu.memory_space<semaphore_mem>>
    %dma_start3A_105 = arith.constant 0 : i32
    %dma_start3A_106 = arith.constant 0 : i32
    %dma_start3A_107 = tpu.memref_slice %arg8[%dma_start3A_94, %dma_start3A_105, %dma_start3A_106] : memref<2x8x512xi32, #tpu.memory_space<vmem>> -> memref<1x8x512xi32, #tpu.memory_space<vmem>>
    %dma_start3A_108 = tpu.memref_squeeze %dma_start3A_107 : memref<1x8x512xi32, #tpu.memory_space<vmem>> -> memref<8x512xi32, #tpu.memory_space<vmem>>
    %dma_start3A_109 = arith.constant 0 : i32
    %dma_start3A_110 = tpu.memref_slice %arg4[%select_n3A_77, %select_n3A_93, %dma_start3A_109] : memref<8x512x512xi32, #tpu.memory_space<hbm>> -> memref<1x8x512xi32, #tpu.memory_space<hbm>>
    %dma_start3A_111 = tpu.memref_squeeze %dma_start3A_110 : memref<1x8x512xi32, #tpu.memory_space<hbm>> -> memref<8x512xi32, #tpu.memory_space<hbm>>
    tpu.enqueue_dma source(%dma_start3A_111 : memref<8x512xi32, #tpu.memory_space<hbm>>) target(%dma_start3A_108 : memref<8x512xi32, #tpu.memory_space<vmem>>) target_semaphore(%dma_start3A_104 : memref<!tpu.dma_semaphore, #tpu.memory_space<semaphore_mem>>)
    %add3A_112 = arith.constant 0 : i32
    %add3A_113 = arith.addi %mul3A_2, %add3A_112 : i32
    %jit3A_114 = arith.constant 512 : i32
    %div3A_115 = arith.divsi %add3A_113, %jit3A_114 : i32
    %sign3A_116 = arith.constant 0 : i32
    %sign3A_117 = arith.cmpi sgt, %add3A_113, %sign3A_116 : i32
    %sign3A_118 = arith.extui %sign3A_117 : i1 to i32
    %sign3A_119 = arith.constant 0 : i32
    %sign3A_120 = arith.cmpi slt, %add3A_113, %sign3A_119 : i32
    %sign3A_121 = arith.extui %sign3A_120 : i1 to i32
    %sign3A_122 = arith.subi %sign3A_118, %sign3A_121 : i32
    %sign3A_123 = arith.constant 0 : i32
    %sign3A_124 = arith.cmpi sgt, %jit3A_114, %sign3A_123 : i32
    %sign3A_125 = arith.extui %sign3A_124 : i1 to i32
    %sign3A_126 = arith.constant 0 : i32
    %sign3A_127 = arith.cmpi slt, %jit3A_114, %sign3A_126 : i32
    %sign3A_128 = arith.extui %sign3A_127 : i1 to i32
    %sign3A_129 = arith.subi %sign3A_125, %sign3A_128 : i32
    %ne3A_130 = arith.cmpi ne, %sign3A_122, %sign3A_129 : i32
    %rem3A_131 = arith.remsi %add3A_113, %jit3A_114 : i32
    %ne3A_132 = arith.constant 0 : i32
    %ne3A_133 = arith.cmpi ne, %rem3A_131, %ne3A_132 : i32
    %and3A_134 = arith.andi %ne3A_130, %ne3A_133 : i1
    %sub3A_135 = arith.constant 1 : i32
    %sub3A_136 = arith.subi %div3A_115, %sub3A_135 : i32
    %select_n3A_137 = arith.select %and3A_134, %sub3A_136, %div3A_115 : i32
    %jit3A_138 = arith.constant 512 : i32
    %eq3A_139 = arith.constant 0 : i32
    %eq3A_140 = arith.cmpi eq, %jit3A_138, %eq3A_139 : i32
    %jit3A_141 = arith.constant 1 : i32
    %select_n3A_142 = arith.select %eq3A_140, %jit3A_141, %jit3A_138 : i32
    %rem3A_143 = arith.remsi %add3A_113, %select_n3A_142 : i32
    %ne3A_144 = arith.constant 0 : i32
    %ne3A_145 = arith.cmpi ne, %rem3A_143, %ne3A_144 : i32
    %lt3A_146 = arith.constant 0 : i32
    %lt3A_147 = arith.cmpi slt, %rem3A_143, %lt3A_146 : i32
    %lt3A_148 = arith.constant 0 : i32
    %lt3A_149 = arith.cmpi slt, %select_n3A_142, %lt3A_148 : i32
    %ne3A_150 = arith.xori %lt3A_147, %lt3A_149 : i1
    %and3A_151 = arith.andi %ne3A_150, %ne3A_145 : i1
    %add3A_152 = arith.addi %rem3A_143, %select_n3A_142 : i32
    %select_n3A_153 = arith.select %and3A_151, %add3A_152, %rem3A_143 : i32
    %dma_start3A_154 = arith.constant 0 : i32
    %dma_start3A_155 = arith.constant 0 : i32
    %dma_start3A_156 = arith.constant 0 : i32
    %dma_start3A_157 = arith.constant 0 : i32
    %dma_start3A_158 = arith.constant 0 : i32
    %dma_start3A_159 = tpu.memref_slice %arg6[%dma_start3A_154, %dma_start3A_156, %dma_start3A_157, %dma_start3A_158] : memref<4x19x8x128xf32, #tpu.memory_space<vmem>> -> memref<1x19x8x128xf32, #tpu.memory_space<vmem>>
    %dma_start3A_160 = tpu.memref_squeeze %dma_start3A_159 : memref<1x19x8x128xf32, #tpu.memory_space<vmem>> -> memref<19x8x128xf32, #tpu.memory_space<vmem>>
    %dma_start3A_161 = arith.constant 0 : i32
    %dma_start3A_162 = arith.constant 0 : i32
    %dma_start3A_163 = tpu.memref_slice %arg2[%select_n3A_137, %dma_start3A_161, %select_n3A_153, %dma_start3A_162] : memref<8x19x512x512xf32, #tpu.memory_space<hbm>> -> memref<1x19x8x128xf32, #tpu.memory_space<hbm>>
    %dma_start3A_164 = tpu.memref_squeeze %dma_start3A_163 : memref<1x19x8x128xf32, #tpu.memory_space<hbm>> -> memref<19x8x128xf32, #tpu.memory_space<hbm>>
    %dma_start3A_165 = tpu.memref_slice %arg10[%dma_start3A_155] : memref<4x!tpu.dma_semaphore, #tpu.memory_space<semaphore_mem>> -> memref<1x!tpu.dma_semaphore, #tpu.memory_space<semaphore_mem>>
    %dma_start3A_166 = tpu.memref_squeeze %dma_start3A_165 : memref<1x!tpu.dma_semaphore, #tpu.memory_space<semaphore_mem>> -> memref<!tpu.dma_semaphore, #tpu.memory_space<semaphore_mem>>
    %dma_start3A_167 = arith.constant 0 : i32
    %dma_start3A_168 = arith.constant 0 : i32
    %dma_start3A_169 = arith.constant 0 : i32
    %dma_start3A_170 = tpu.memref_slice %arg6[%dma_start3A_154, %dma_start3A_167, %dma_start3A_168, %dma_start3A_169] : memref<4x19x8x128xf32, #tpu.memory_space<vmem>> -> memref<1x19x8x128xf32, #tpu.memory_space<vmem>>
    %dma_start3A_171 = tpu.memref_squeeze %dma_start3A_170 : memref<1x19x8x128xf32, #tpu.memory_space<vmem>> -> memref<19x8x128xf32, #tpu.memory_space<vmem>>
    %dma_start3A_172 = arith.constant 0 : i32
    %dma_start3A_173 = arith.constant 0 : i32
    %dma_start3A_174 = tpu.memref_slice %arg2[%select_n3A_137, %dma_start3A_172, %select_n3A_153, %dma_start3A_173] : memref<8x19x512x512xf32, #tpu.memory_space<hbm>> -> memref<1x19x8x128xf32, #tpu.memory_space<hbm>>
    %dma_start3A_175 = tpu.memref_squeeze %dma_start3A_174 : memref<1x19x8x128xf32, #tpu.memory_space<hbm>> -> memref<19x8x128xf32, #tpu.memory_space<hbm>>
    tpu.enqueue_dma source(%dma_start3A_175 : memref<19x8x128xf32, #tpu.memory_space<hbm>>) target(%dma_start3A_171 : memref<19x8x128xf32, #tpu.memory_space<vmem>>) target_semaphore(%dma_start3A_166 : memref<!tpu.dma_semaphore, #tpu.memory_space<semaphore_mem>>)
    %add3A_176 = arith.constant 0 : i32
    %add3A_177 = arith.addi %mul3A_2, %add3A_176 : i32
    %jit3A_178 = arith.constant 512 : i32
    %div3A_179 = arith.divsi %add3A_177, %jit3A_178 : i32
    %sign3A_180 = arith.constant 0 : i32
    %sign3A_181 = arith.cmpi sgt, %add3A_177, %sign3A_180 : i32
    %sign3A_182 = arith.extui %sign3A_181 : i1 to i32
    %sign3A_183 = arith.constant 0 : i32
    %sign3A_184 = arith.cmpi slt, %add3A_177, %sign3A_183 : i32
    %sign3A_185 = arith.extui %sign3A_184 : i1 to i32
    %sign3A_186 = arith.subi %sign3A_182, %sign3A_185 : i32
    %sign3A_187 = arith.constant 0 : i32
    %sign3A_188 = arith.cmpi sgt, %jit3A_178, %sign3A_187 : i32
    %sign3A_189 = arith.extui %sign3A_188 : i1 to i32
    %sign3A_190 = arith.constant 0 : i32
    %sign3A_191 = arith.cmpi slt, %jit3A_178, %sign3A_190 : i32
    %sign3A_192 = arith.extui %sign3A_191 : i1 to i32
    %sign3A_193 = arith.subi %sign3A_189, %sign3A_192 : i32
    %ne3A_194 = arith.cmpi ne, %sign3A_186, %sign3A_193 : i32
    %rem3A_195 = arith.remsi %add3A_177, %jit3A_178 : i32
    %ne3A_196 = arith.constant 0 : i32
    %ne3A_197 = arith.cmpi ne, %rem3A_195, %ne3A_196 : i32
    %and3A_198 = arith.andi %ne3A_194, %ne3A_197 : i1
    %sub3A_199 = arith.constant 1 : i32
    %sub3A_200 = arith.subi %div3A_179, %sub3A_199 : i32
    %select_n3A_201 = arith.select %and3A_198, %sub3A_200, %div3A_179 : i32
    %jit3A_202 = arith.constant 512 : i32
    %eq3A_203 = arith.constant 0 : i32
    %eq3A_204 = arith.cmpi eq, %jit3A_202, %eq3A_203 : i32
    %jit3A_205 = arith.constant 1 : i32
    %select_n3A_206 = arith.select %eq3A_204, %jit3A_205, %jit3A_202 : i32
    %rem3A_207 = arith.remsi %add3A_177, %select_n3A_206 : i32
    %ne3A_208 = arith.constant 0 : i32
    %ne3A_209 = arith.cmpi ne, %rem3A_207, %ne3A_208 : i32
    %lt3A_210 = arith.constant 0 : i32
    %lt3A_211 = arith.cmpi slt, %rem3A_207, %lt3A_210 : i32
    %lt3A_212 = arith.constant 0 : i32
    %lt3A_213 = arith.cmpi slt, %select_n3A_206, %lt3A_212 : i32
    %ne3A_214 = arith.xori %lt3A_211, %lt3A_213 : i1
    %and3A_215 = arith.andi %ne3A_214, %ne3A_209 : i1
    %add3A_216 = arith.addi %rem3A_207, %select_n3A_206 : i32
    %select_n3A_217 = arith.select %and3A_215, %add3A_216, %rem3A_207 : i32
    %dma_start3A_218 = arith.constant 1 : i32
    %dma_start3A_219 = arith.constant 1 : i32
    %dma_start3A_220 = arith.constant 0 : i32
    %dma_start3A_221 = arith.constant 0 : i32
    %dma_start3A_222 = arith.constant 0 : i32
    %dma_start3A_223 = tpu.memref_slice %arg6[%dma_start3A_218, %dma_start3A_220, %dma_start3A_221, %dma_start3A_222] : memref<4x19x8x128xf32, #tpu.memory_space<vmem>> -> memref<1x19x8x128xf32, #tpu.memory_space<vmem>>
    %dma_start3A_224 = tpu.memref_squeeze %dma_start3A_223 : memref<1x19x8x128xf32, #tpu.memory_space<vmem>> -> memref<19x8x128xf32, #tpu.memory_space<vmem>>
    %dma_start3A_225 = arith.constant 0 : i32
    %dma_start3A_226 = arith.constant 128 : i32
    %dma_start3A_227 = tpu.memref_slice %arg2[%select_n3A_201, %dma_start3A_225, %select_n3A_217, %dma_start3A_226] : memref<8x19x512x512xf32, #tpu.memory_space<hbm>> -> memref<1x19x8x128xf32, #tpu.memory_space<hbm>>
    %dma_start3A_228 = tpu.memref_squeeze %dma_start3A_227 : memref<1x19x8x128xf32, #tpu.memory_space<hbm>> -> memref<19x8x128xf32, #tpu.memory_space<hbm>>
    %dma_start3A_229 = tpu.memref_slice %arg10[%dma_start3A_219] : memref<4x!tpu.dma_semaphore, #tpu.memory_space<semaphore_mem>> -> memref<1x!tpu.dma_semaphore, #tpu.memory_space<semaphore_mem>>
    %dma_start3A_230 = tpu.memref_squeeze %dma_start3A_229 : memref<1x!tpu.dma_semaphore, #tpu.memory_space<semaphore_mem>> -> memref<!tpu.dma_semaphore, #tpu.memory_space<semaphore_mem>>
    %dma_start3A_231 = arith.constant 0 : i32
    %dma_start3A_232 = arith.constant 0 : i32
    %dma_start3A_233 = arith.constant 0 : i32
    %dma_start3A_234 = tpu.memref_slice %arg6[%dma_start3A_218, %dma_start3A_231, %dma_start3A_232, %dma_start3A_233] : memref<4x19x8x128xf32, #tpu.memory_space<vmem>> -> memref<1x19x8x128xf32, #tpu.memory_space<vmem>>
    %dma_start3A_235 = tpu.memref_squeeze %dma_start3A_234 : memref<1x19x8x128xf32, #tpu.memory_space<vmem>> -> memref<19x8x128xf32, #tpu.memory_space<vmem>>
    %dma_start3A_236 = arith.constant 0 : i32
    %dma_start3A_237 = arith.constant 128 : i32
    %dma_start3A_238 = tpu.memref_slice %arg2[%select_n3A_201, %dma_start3A_236, %select_n3A_217, %dma_start3A_237] : memref<8x19x512x512xf32, #tpu.memory_space<hbm>> -> memref<1x19x8x128xf32, #tpu.memory_space<hbm>>
    %dma_start3A_239 = tpu.memref_squeeze %dma_start3A_238 : memref<1x19x8x128xf32, #tpu.memory_space<hbm>> -> memref<19x8x128xf32, #tpu.memory_space<hbm>>
    tpu.enqueue_dma source(%dma_start3A_239 : memref<19x8x128xf32, #tpu.memory_space<hbm>>) target(%dma_start3A_235 : memref<19x8x128xf32, #tpu.memory_space<vmem>>) target_semaphore(%dma_start3A_230 : memref<!tpu.dma_semaphore, #tpu.memory_space<semaphore_mem>>)
    %add3A_240 = arith.constant 0 : i32
    %add3A_241 = arith.addi %mul3A_2, %add3A_240 : i32
    %jit3A_242 = arith.constant 512 : i32
    %div3A_243 = arith.divsi %add3A_241, %jit3A_242 : i32
    %sign3A_244 = arith.constant 0 : i32
    %sign3A_245 = arith.cmpi sgt, %add3A_241, %sign3A_244 : i32
    %sign3A_246 = arith.extui %sign3A_245 : i1 to i32
    %sign3A_247 = arith.constant 0 : i32
    %sign3A_248 = arith.cmpi slt, %add3A_241, %sign3A_247 : i32
    %sign3A_249 = arith.extui %sign3A_248 : i1 to i32
    %sign3A_250 = arith.subi %sign3A_246, %sign3A_249 : i32
    %sign3A_251 = arith.constant 0 : i32
    %sign3A_252 = arith.cmpi sgt, %jit3A_242, %sign3A_251 : i32
    %sign3A_253 = arith.extui %sign3A_252 : i1 to i32
    %sign3A_254 = arith.constant 0 : i32
    %sign3A_255 = arith.cmpi slt, %jit3A_242, %sign3A_254 : i32
    %sign3A_256 = arith.extui %sign3A_255 : i1 to i32
    %sign3A_257 = arith.subi %sign3A_253, %sign3A_256 : i32
    %ne3A_258 = arith.cmpi ne, %sign3A_250, %sign3A_257 : i32
    %rem3A_259 = arith.remsi %add3A_241, %jit3A_242 : i32
    %ne3A_260 = arith.constant 0 : i32
    %ne3A_261 = arith.cmpi ne, %rem3A_259, %ne3A_260 : i32
    %and3A_262 = arith.andi %ne3A_258, %ne3A_261 : i1
    %sub3A_263 = arith.constant 1 : i32
    %sub3A_264 = arith.subi %div3A_243, %sub3A_263 : i32
    %select_n3A_265 = arith.select %and3A_262, %sub3A_264, %div3A_243 : i32
    %jit3A_266 = arith.constant 512 : i32
    %eq3A_267 = arith.constant 0 : i32
    %eq3A_268 = arith.cmpi eq, %jit3A_266, %eq3A_267 : i32
    %jit3A_269 = arith.constant 1 : i32
    %select_n3A_270 = arith.select %eq3A_268, %jit3A_269, %jit3A_266 : i32
    %rem3A_271 = arith.remsi %add3A_241, %select_n3A_270 : i32
    %ne3A_272 = arith.constant 0 : i32
    %ne3A_273 = arith.cmpi ne, %rem3A_271, %ne3A_272 : i32
    %lt3A_274 = arith.constant 0 : i32
    %lt3A_275 = arith.cmpi slt, %rem3A_271, %lt3A_274 : i32
    %lt3A_276 = arith.constant 0 : i32
    %lt3A_277 = arith.cmpi slt, %select_n3A_270, %lt3A_276 : i32
    %ne3A_278 = arith.xori %lt3A_275, %lt3A_277 : i1
    %and3A_279 = arith.andi %ne3A_278, %ne3A_273 : i1
    %add3A_280 = arith.addi %rem3A_271, %select_n3A_270 : i32
    %select_n3A_281 = arith.select %and3A_279, %add3A_280, %rem3A_271 : i32
    %dma_start3A_282 = arith.constant 2 : i32
    %dma_start3A_283 = arith.constant 2 : i32
    %dma_start3A_284 = arith.constant 0 : i32
    %dma_start3A_285 = arith.constant 0 : i32
    %dma_start3A_286 = arith.constant 0 : i32
    %dma_start3A_287 = tpu.memref_slice %arg6[%dma_start3A_282, %dma_start3A_284, %dma_start3A_285, %dma_start3A_286] : memref<4x19x8x128xf32, #tpu.memory_space<vmem>> -> memref<1x19x8x128xf32, #tpu.memory_space<vmem>>
    %dma_start3A_288 = tpu.memref_squeeze %dma_start3A_287 : memref<1x19x8x128xf32, #tpu.memory_space<vmem>> -> memref<19x8x128xf32, #tpu.memory_space<vmem>>
    %dma_start3A_289 = arith.constant 0 : i32
    %dma_start3A_290 = arith.constant 256 : i32
    %dma_start3A_291 = tpu.memref_slice %arg2[%select_n3A_265, %dma_start3A_289, %select_n3A_281, %dma_start3A_290] : memref<8x19x512x512xf32, #tpu.memory_space<hbm>> -> memref<1x19x8x128xf32, #tpu.memory_space<hbm>>
    %dma_start3A_292 = tpu.memref_squeeze %dma_start3A_291 : memref<1x19x8x128xf32, #tpu.memory_space<hbm>> -> memref<19x8x128xf32, #tpu.memory_space<hbm>>
    %dma_start3A_293 = tpu.memref_slice %arg10[%dma_start3A_283] : memref<4x!tpu.dma_semaphore, #tpu.memory_space<semaphore_mem>> -> memref<1x!tpu.dma_semaphore, #tpu.memory_space<semaphore_mem>>
    %dma_start3A_294 = tpu.memref_squeeze %dma_start3A_293 : memref<1x!tpu.dma_semaphore, #tpu.memory_space<semaphore_mem>> -> memref<!tpu.dma_semaphore, #tpu.memory_space<semaphore_mem>>
    %dma_start3A_295 = arith.constant 0 : i32
    %dma_start3A_296 = arith.constant 0 : i32
    %dma_start3A_297 = arith.constant 0 : i32
    %dma_start3A_298 = tpu.memref_slice %arg6[%dma_start3A_282, %dma_start3A_295, %dma_start3A_296, %dma_start3A_297] : memref<4x19x8x128xf32, #tpu.memory_space<vmem>> -> memref<1x19x8x128xf32, #tpu.memory_space<vmem>>
    %dma_start3A_299 = tpu.memref_squeeze %dma_start3A_298 : memref<1x19x8x128xf32, #tpu.memory_space<vmem>> -> memref<19x8x128xf32, #tpu.memory_space<vmem>>
    %dma_start3A_300 = arith.constant 0 : i32
    %dma_start3A_301 = arith.constant 256 : i32
    %dma_start3A_302 = tpu.memref_slice %arg2[%select_n3A_265, %dma_start3A_300, %select_n3A_281, %dma_start3A_301] : memref<8x19x512x512xf32, #tpu.memory_space<hbm>> -> memref<1x19x8x128xf32, #tpu.memory_space<hbm>>
    %dma_start3A_303 = tpu.memref_squeeze %dma_start3A_302 : memref<1x19x8x128xf32, #tpu.memory_space<hbm>> -> memref<19x8x128xf32, #tpu.memory_space<hbm>>
    tpu.enqueue_dma source(%dma_start3A_303 : memref<19x8x128xf32, #tpu.memory_space<hbm>>) target(%dma_start3A_299 : memref<19x8x128xf32, #tpu.memory_space<vmem>>) target_semaphore(%dma_start3A_294 : memref<!tpu.dma_semaphore, #tpu.memory_space<semaphore_mem>>)
    %add3A_304 = arith.constant 0 : i32
    %add3A_305 = arith.addi %mul3A_2, %add3A_304 : i32
    %jit3A_306 = arith.constant 512 : i32
    %div3A_307 = arith.divsi %add3A_305, %jit3A_306 : i32
    %sign3A_308 = arith.constant 0 : i32
    %sign3A_309 = arith.cmpi sgt, %add3A_305, %sign3A_308 : i32
    %sign3A_310 = arith.extui %sign3A_309 : i1 to i32
    %sign3A_311 = arith.constant 0 : i32
    %sign3A_312 = arith.cmpi slt, %add3A_305, %sign3A_311 : i32
    %sign3A_313 = arith.extui %sign3A_312 : i1 to i32
    %sign3A_314 = arith.subi %sign3A_310, %sign3A_313 : i32
    %sign3A_315 = arith.constant 0 : i32
    %sign3A_316 = arith.cmpi sgt, %jit3A_306, %sign3A_315 : i32
    %sign3A_317 = arith.extui %sign3A_316 : i1 to i32
    %sign3A_318 = arith.constant 0 : i32
    %sign3A_319 = arith.cmpi slt, %jit3A_306, %sign3A_318 : i32
    %sign3A_320 = arith.extui %sign3A_319 : i1 to i32
    %sign3A_321 = arith.subi %sign3A_317, %sign3A_320 : i32
    %ne3A_322 = arith.cmpi ne, %sign3A_314, %sign3A_321 : i32
    %rem3A_323 = arith.remsi %add3A_305, %jit3A_306 : i32
    %ne3A_324 = arith.constant 0 : i32
    %ne3A_325 = arith.cmpi ne, %rem3A_323, %ne3A_324 : i32
    %and3A_326 = arith.andi %ne3A_322, %ne3A_325 : i1
    %sub3A_327 = arith.constant 1 : i32
    %sub3A_328 = arith.subi %div3A_307, %sub3A_327 : i32
    %select_n3A_329 = arith.select %and3A_326, %sub3A_328, %div3A_307 : i32
    %jit3A_330 = arith.constant 512 : i32
    %eq3A_331 = arith.constant 0 : i32
    %eq3A_332 = arith.cmpi eq, %jit3A_330, %eq3A_331 : i32
    %jit3A_333 = arith.constant 1 : i32
    %select_n3A_334 = arith.select %eq3A_332, %jit3A_333, %jit3A_330 : i32
    %rem3A_335 = arith.remsi %add3A_305, %select_n3A_334 : i32
    %ne3A_336 = arith.constant 0 : i32
    %ne3A_337 = arith.cmpi ne, %rem3A_335, %ne3A_336 : i32
    %lt3A_338 = arith.constant 0 : i32
    %lt3A_339 = arith.cmpi slt, %rem3A_335, %lt3A_338 : i32
    %lt3A_340 = arith.constant 0 : i32
    %lt3A_341 = arith.cmpi slt, %select_n3A_334, %lt3A_340 : i32
    %ne3A_342 = arith.xori %lt3A_339, %lt3A_341 : i1
    %and3A_343 = arith.andi %ne3A_342, %ne3A_337 : i1
    %add3A_344 = arith.addi %rem3A_335, %select_n3A_334 : i32
    %select_n3A_345 = arith.select %and3A_343, %add3A_344, %rem3A_335 : i32
    %dma_start3A_346 = arith.constant 3 : i32
    %dma_start3A_347 = arith.constant 3 : i32
    %dma_start3A_348 = arith.constant 0 : i32
    %dma_start3A_349 = arith.constant 0 : i32
    %dma_start3A_350 = arith.constant 0 : i32
    %dma_start3A_351 = tpu.memref_slice %arg6[%dma_start3A_346, %dma_start3A_348, %dma_start3A_349, %dma_start3A_350] : memref<4x19x8x128xf32, #tpu.memory_space<vmem>> -> memref<1x19x8x128xf32, #tpu.memory_space<vmem>>
    %dma_start3A_352 = tpu.memref_squeeze %dma_start3A_351 : memref<1x19x8x128xf32, #tpu.memory_space<vmem>> -> memref<19x8x128xf32, #tpu.memory_space<vmem>>
    %dma_start3A_353 = arith.constant 0 : i32
    %dma_start3A_354 = arith.constant 384 : i32
    %dma_start3A_355 = tpu.memref_slice %arg2[%select_n3A_329, %dma_start3A_353, %select_n3A_345, %dma_start3A_354] : memref<8x19x512x512xf32, #tpu.memory_space<hbm>> -> memref<1x19x8x128xf32, #tpu.memory_space<hbm>>
    %dma_start3A_356 = tpu.memref_squeeze %dma_start3A_355 : memref<1x19x8x128xf32, #tpu.memory_space<hbm>> -> memref<19x8x128xf32, #tpu.memory_space<hbm>>
    %dma_start3A_357 = tpu.memref_slice %arg10[%dma_start3A_347] : memref<4x!tpu.dma_semaphore, #tpu.memory_space<semaphore_mem>> -> memref<1x!tpu.dma_semaphore, #tpu.memory_space<semaphore_mem>>
    %dma_start3A_358 = tpu.memref_squeeze %dma_start3A_357 : memref<1x!tpu.dma_semaphore, #tpu.memory_space<semaphore_mem>> -> memref<!tpu.dma_semaphore, #tpu.memory_space<semaphore_mem>>
    %dma_start3A_359 = arith.constant 0 : i32
    %dma_start3A_360 = arith.constant 0 : i32
    %dma_start3A_361 = arith.constant 0 : i32
    %dma_start3A_362 = tpu.memref_slice %arg6[%dma_start3A_346, %dma_start3A_359, %dma_start3A_360, %dma_start3A_361] : memref<4x19x8x128xf32, #tpu.memory_space<vmem>> -> memref<1x19x8x128xf32, #tpu.memory_space<vmem>>
    %dma_start3A_363 = tpu.memref_squeeze %dma_start3A_362 : memref<1x19x8x128xf32, #tpu.memory_space<vmem>> -> memref<19x8x128xf32, #tpu.memory_space<vmem>>
    %dma_start3A_364 = arith.constant 0 : i32
    %dma_start3A_365 = arith.constant 384 : i32
    %dma_start3A_366 = tpu.memref_slice %arg2[%select_n3A_329, %dma_start3A_364, %select_n3A_345, %dma_start3A_365] : memref<8x19x512x512xf32, #tpu.memory_space<hbm>> -> memref<1x19x8x128xf32, #tpu.memory_space<hbm>>
    %dma_start3A_367 = tpu.memref_squeeze %dma_start3A_366 : memref<1x19x8x128xf32, #tpu.memory_space<hbm>> -> memref<19x8x128xf32, #tpu.memory_space<hbm>>
    tpu.enqueue_dma source(%dma_start3A_367 : memref<19x8x128xf32, #tpu.memory_space<hbm>>) target(%dma_start3A_363 : memref<19x8x128xf32, #tpu.memory_space<vmem>>) target_semaphore(%dma_start3A_358 : memref<!tpu.dma_semaphore, #tpu.memory_space<semaphore_mem>>)
    %broadcast_in_dim3A = arith.constant 0.000000e+00 : f32
    %broadcast_in_dim3A_368 = vector.broadcast %broadcast_in_dim3A : f32 to vector<16xf32>
    %scan3A = arith.constant 0 : i32
    %scan3A_369 = arith.constant 8 : i32
    %scan3A_370 = arith.addi %scan3A, %scan3A_369 : i32
    %scan3A_371 = arith.constant 1 : i32
    %scan3A_372 = scf.for %scan3A_375 = %scan3A to %scan3A_370 step %scan3A_371 iter_args(%scan3A_376 = %broadcast_in_dim3A_368) -> (vector<16xf32>)  : i32 {
      %add3A_377 = arith.constant 1 : i32
      %add3A_378 = arith.addi %scan3A_375, %add3A_377 : i32
      %lt3A_379 = arith.constant 8 : i32
      %lt3A_380 = arith.cmpi slt, %add3A_378, %lt3A_379 : i32
      %convert_element_type3A = arith.extui %lt3A_380 : i1 to i32
      %cond3A = arith.constant 0 : i32
      %cond3A_381 = arith.cmpi ne, %convert_element_type3A, %cond3A : i32
      scf.if %cond3A_381 {
        %add3A_891 = arith.constant 1 : i32
        %add3A_892 = arith.addi %scan3A_375, %add3A_891 : i32
        %mul3A_893 = arith.constant 8 : i32
        %mul3A_894 = arith.muli %add3A_892, %mul3A_893 : i32
        %add3A_895 = arith.addi %mul3A_2, %mul3A_894 : i32
        %jit3A_896 = arith.constant 512 : i32
        %div3A_897 = arith.divsi %add3A_895, %jit3A_896 : i32
        %sign3A_898 = arith.constant 0 : i32
        %sign3A_899 = arith.cmpi sgt, %add3A_895, %sign3A_898 : i32
        %sign3A_900 = arith.extui %sign3A_899 : i1 to i32
        %sign3A_901 = arith.constant 0 : i32
        %sign3A_902 = arith.cmpi slt, %add3A_895, %sign3A_901 : i32
        %sign3A_903 = arith.extui %sign3A_902 : i1 to i32
        %sign3A_904 = arith.subi %sign3A_900, %sign3A_903 : i32
        %sign3A_905 = arith.constant 0 : i32
        %sign3A_906 = arith.cmpi sgt, %jit3A_896, %sign3A_905 : i32
        %sign3A_907 = arith.extui %sign3A_906 : i1 to i32
        %sign3A_908 = arith.constant 0 : i32
        %sign3A_909 = arith.cmpi slt, %jit3A_896, %sign3A_908 : i32
        %sign3A_910 = arith.extui %sign3A_909 : i1 to i32
        %sign3A_911 = arith.subi %sign3A_907, %sign3A_910 : i32
        %ne3A_912 = arith.cmpi ne, %sign3A_904, %sign3A_911 : i32
        %rem3A_913 = arith.remsi %add3A_895, %jit3A_896 : i32
        %ne3A_914 = arith.constant 0 : i32
        %ne3A_915 = arith.cmpi ne, %rem3A_913, %ne3A_914 : i32
        %and3A_916 = arith.andi %ne3A_912, %ne3A_915 : i1
        %sub3A_917 = arith.constant 1 : i32
        %sub3A_918 = arith.subi %div3A_897, %sub3A_917 : i32
        %select_n3A_919 = arith.select %and3A_916, %sub3A_918, %div3A_897 : i32
        %jit3A_920 = arith.constant 512 : i32
        %eq3A_921 = arith.constant 0 : i32
        %eq3A_922 = arith.cmpi eq, %jit3A_920, %eq3A_921 : i32
        %jit3A_923 = arith.constant 1 : i32
        %select_n3A_924 = arith.select %eq3A_922, %jit3A_923, %jit3A_920 : i32
        %rem3A_925 = arith.remsi %add3A_895, %select_n3A_924 : i32
        %ne3A_926 = arith.constant 0 : i32
        %ne3A_927 = arith.cmpi ne, %rem3A_925, %ne3A_926 : i32
        %lt3A_928 = arith.constant 0 : i32
        %lt3A_929 = arith.cmpi slt, %rem3A_925, %lt3A_928 : i32
        %lt3A_930 = arith.constant 0 : i32
        %lt3A_931 = arith.cmpi slt, %select_n3A_924, %lt3A_930 : i32
        %ne3A_932 = arith.xori %lt3A_929, %lt3A_931 : i1
        %and3A_933 = arith.andi %ne3A_932, %ne3A_927 : i1
        %add3A_934 = arith.addi %rem3A_925, %select_n3A_924 : i32
        %select_n3A_935 = arith.select %and3A_933, %add3A_934, %rem3A_925 : i32
        %jit3A_936 = arith.constant 2 : i32
        %eq3A_937 = arith.constant 0 : i32
        %eq3A_938 = arith.cmpi eq, %jit3A_936, %eq3A_937 : i32
        %jit3A_939 = arith.constant 1 : i32
        %select_n3A_940 = arith.select %eq3A_938, %jit3A_939, %jit3A_936 : i32
        %rem3A_941 = arith.remsi %add3A_892, %select_n3A_940 : i32
        %ne3A_942 = arith.constant 0 : i32
        %ne3A_943 = arith.cmpi ne, %rem3A_941, %ne3A_942 : i32
        %lt3A_944 = arith.constant 0 : i32
        %lt3A_945 = arith.cmpi slt, %rem3A_941, %lt3A_944 : i32
        %lt3A_946 = arith.constant 0 : i32
        %lt3A_947 = arith.cmpi slt, %select_n3A_940, %lt3A_946 : i32
        %ne3A_948 = arith.xori %lt3A_945, %lt3A_947 : i1
        %and3A_949 = arith.andi %ne3A_948, %ne3A_943 : i1
        %add3A_950 = arith.addi %rem3A_941, %select_n3A_940 : i32
        %select_n3A_951 = arith.select %and3A_949, %add3A_950, %rem3A_941 : i32
        %jit3A_952 = arith.constant 2 : i32
        %eq3A_953 = arith.constant 0 : i32
        %eq3A_954 = arith.cmpi eq, %jit3A_952, %eq3A_953 : i32
        %jit3A_955 = arith.constant 1 : i32
        %select_n3A_956 = arith.select %eq3A_954, %jit3A_955, %jit3A_952 : i32
        %rem3A_957 = arith.remsi %add3A_892, %select_n3A_956 : i32
        %ne3A_958 = arith.constant 0 : i32
        %ne3A_959 = arith.cmpi ne, %rem3A_957, %ne3A_958 : i32
        %lt3A_960 = arith.constant 0 : i32
        %lt3A_961 = arith.cmpi slt, %rem3A_957, %lt3A_960 : i32
        %lt3A_962 = arith.constant 0 : i32
        %lt3A_963 = arith.cmpi slt, %select_n3A_956, %lt3A_962 : i32
        %ne3A_964 = arith.xori %lt3A_961, %lt3A_963 : i1
        %and3A_965 = arith.andi %ne3A_964, %ne3A_959 : i1
        %add3A_966 = arith.addi %rem3A_957, %select_n3A_956 : i32
        %select_n3A_967 = arith.select %and3A_965, %add3A_966, %rem3A_957 : i32
        %dma_start3A_968 = arith.constant 0 : i32
        %dma_start3A_969 = arith.constant 0 : i32
        %dma_start3A_970 = tpu.memref_slice %arg7[%select_n3A_951, %dma_start3A_968, %dma_start3A_969] : memref<2x8x512xi32, #tpu.memory_space<vmem>> -> memref<1x8x512xi32, #tpu.memory_space<vmem>>
        %dma_start3A_971 = tpu.memref_squeeze %dma_start3A_970 : memref<1x8x512xi32, #tpu.memory_space<vmem>> -> memref<8x512xi32, #tpu.memory_space<vmem>>
        %dma_start3A_972 = arith.constant 0 : i32
        %dma_start3A_973 = tpu.memref_slice %arg3[%select_n3A_919, %select_n3A_935, %dma_start3A_972] : memref<8x512x512xi32, #tpu.memory_space<hbm>> -> memref<1x8x512xi32, #tpu.memory_space<hbm>>
        %dma_start3A_974 = tpu.memref_squeeze %dma_start3A_973 : memref<1x8x512xi32, #tpu.memory_space<hbm>> -> memref<8x512xi32, #tpu.memory_space<hbm>>
        %dma_start3A_975 = tpu.memref_slice %arg11[%select_n3A_967] : memref<2x!tpu.dma_semaphore, #tpu.memory_space<semaphore_mem>> -> memref<1x!tpu.dma_semaphore, #tpu.memory_space<semaphore_mem>>
        %dma_start3A_976 = tpu.memref_squeeze %dma_start3A_975 : memref<1x!tpu.dma_semaphore, #tpu.memory_space<semaphore_mem>> -> memref<!tpu.dma_semaphore, #tpu.memory_space<semaphore_mem>>
        %dma_start3A_977 = arith.constant 0 : i32
        %dma_start3A_978 = arith.constant 0 : i32
        %dma_start3A_979 = tpu.memref_slice %arg7[%select_n3A_951, %dma_start3A_977, %dma_start3A_978] : memref<2x8x512xi32, #tpu.memory_space<vmem>> -> memref<1x8x512xi32, #tpu.memory_space<vmem>>
        %dma_start3A_980 = tpu.memref_squeeze %dma_start3A_979 : memref<1x8x512xi32, #tpu.memory_space<vmem>> -> memref<8x512xi32, #tpu.memory_space<vmem>>
        %dma_start3A_981 = arith.constant 0 : i32
        %dma_start3A_982 = tpu.memref_slice %arg3[%select_n3A_919, %select_n3A_935, %dma_start3A_981] : memref<8x512x512xi32, #tpu.memory_space<hbm>> -> memref<1x8x512xi32, #tpu.memory_space<hbm>>
        %dma_start3A_983 = tpu.memref_squeeze %dma_start3A_982 : memref<1x8x512xi32, #tpu.memory_space<hbm>> -> memref<8x512xi32, #tpu.memory_space<hbm>>
        tpu.enqueue_dma source(%dma_start3A_983 : memref<8x512xi32, #tpu.memory_space<hbm>>) target(%dma_start3A_980 : memref<8x512xi32, #tpu.memory_space<vmem>>) target_semaphore(%dma_start3A_976 : memref<!tpu.dma_semaphore, #tpu.memory_space<semaphore_mem>>)
        %add3A_984 = arith.constant 1 : i32
        %add3A_985 = arith.addi %scan3A_375, %add3A_984 : i32
        %mul3A_986 = arith.constant 8 : i32
        %mul3A_987 = arith.muli %add3A_985, %mul3A_986 : i32
        %add3A_988 = arith.addi %mul3A_2, %mul3A_987 : i32
        %jit3A_989 = arith.constant 512 : i32
        %div3A_990 = arith.divsi %add3A_988, %jit3A_989 : i32
        %sign3A_991 = arith.constant 0 : i32
        %sign3A_992 = arith.cmpi sgt, %add3A_988, %sign3A_991 : i32
        %sign3A_993 = arith.extui %sign3A_992 : i1 to i32
        %sign3A_994 = arith.constant 0 : i32
        %sign3A_995 = arith.cmpi slt, %add3A_988, %sign3A_994 : i32
        %sign3A_996 = arith.extui %sign3A_995 : i1 to i32
        %sign3A_997 = arith.subi %sign3A_993, %sign3A_996 : i32
        %sign3A_998 = arith.constant 0 : i32
        %sign3A_999 = arith.cmpi sgt, %jit3A_989, %sign3A_998 : i32
        %sign3A_1000 = arith.extui %sign3A_999 : i1 to i32
        %sign3A_1001 = arith.constant 0 : i32
        %sign3A_1002 = arith.cmpi slt, %jit3A_989, %sign3A_1001 : i32
        %sign3A_1003 = arith.extui %sign3A_1002 : i1 to i32
        %sign3A_1004 = arith.subi %sign3A_1000, %sign3A_1003 : i32
        %ne3A_1005 = arith.cmpi ne, %sign3A_997, %sign3A_1004 : i32
        %rem3A_1006 = arith.remsi %add3A_988, %jit3A_989 : i32
        %ne3A_1007 = arith.constant 0 : i32
        %ne3A_1008 = arith.cmpi ne, %rem3A_1006, %ne3A_1007 : i32
        %and3A_1009 = arith.andi %ne3A_1005, %ne3A_1008 : i1
        %sub3A_1010 = arith.constant 1 : i32
        %sub3A_1011 = arith.subi %div3A_990, %sub3A_1010 : i32
        %select_n3A_1012 = arith.select %and3A_1009, %sub3A_1011, %div3A_990 : i32
        %jit3A_1013 = arith.constant 512 : i32
        %eq3A_1014 = arith.constant 0 : i32
        %eq3A_1015 = arith.cmpi eq, %jit3A_1013, %eq3A_1014 : i32
        %jit3A_1016 = arith.constant 1 : i32
        %select_n3A_1017 = arith.select %eq3A_1015, %jit3A_1016, %jit3A_1013 : i32
        %rem3A_1018 = arith.remsi %add3A_988, %select_n3A_1017 : i32
        %ne3A_1019 = arith.constant 0 : i32
        %ne3A_1020 = arith.cmpi ne, %rem3A_1018, %ne3A_1019 : i32
        %lt3A_1021 = arith.constant 0 : i32
        %lt3A_1022 = arith.cmpi slt, %rem3A_1018, %lt3A_1021 : i32
        %lt3A_1023 = arith.constant 0 : i32
        %lt3A_1024 = arith.cmpi slt, %select_n3A_1017, %lt3A_1023 : i32
        %ne3A_1025 = arith.xori %lt3A_1022, %lt3A_1024 : i1
        %and3A_1026 = arith.andi %ne3A_1025, %ne3A_1020 : i1
        %add3A_1027 = arith.addi %rem3A_1018, %select_n3A_1017 : i32
        %select_n3A_1028 = arith.select %and3A_1026, %add3A_1027, %rem3A_1018 : i32
        %jit3A_1029 = arith.constant 2 : i32
        %eq3A_1030 = arith.constant 0 : i32
        %eq3A_1031 = arith.cmpi eq, %jit3A_1029, %eq3A_1030 : i32
        %jit3A_1032 = arith.constant 1 : i32
        %select_n3A_1033 = arith.select %eq3A_1031, %jit3A_1032, %jit3A_1029 : i32
        %rem3A_1034 = arith.remsi %add3A_985, %select_n3A_1033 : i32
        %ne3A_1035 = arith.constant 0 : i32
        %ne3A_1036 = arith.cmpi ne, %rem3A_1034, %ne3A_1035 : i32
        %lt3A_1037 = arith.constant 0 : i32
        %lt3A_1038 = arith.cmpi slt, %rem3A_1034, %lt3A_1037 : i32
        %lt3A_1039 = arith.constant 0 : i32
        %lt3A_1040 = arith.cmpi slt, %select_n3A_1033, %lt3A_1039 : i32
        %ne3A_1041 = arith.xori %lt3A_1038, %lt3A_1040 : i1
        %and3A_1042 = arith.andi %ne3A_1041, %ne3A_1036 : i1
        %add3A_1043 = arith.addi %rem3A_1034, %select_n3A_1033 : i32
        %select_n3A_1044 = arith.select %and3A_1042, %add3A_1043, %rem3A_1034 : i32
        %jit3A_1045 = arith.constant 2 : i32
        %eq3A_1046 = arith.constant 0 : i32
        %eq3A_1047 = arith.cmpi eq, %jit3A_1045, %eq3A_1046 : i32
        %jit3A_1048 = arith.constant 1 : i32
        %select_n3A_1049 = arith.select %eq3A_1047, %jit3A_1048, %jit3A_1045 : i32
        %rem3A_1050 = arith.remsi %add3A_985, %select_n3A_1049 : i32
        %ne3A_1051 = arith.constant 0 : i32
        %ne3A_1052 = arith.cmpi ne, %rem3A_1050, %ne3A_1051 : i32
        %lt3A_1053 = arith.constant 0 : i32
        %lt3A_1054 = arith.cmpi slt, %rem3A_1050, %lt3A_1053 : i32
        %lt3A_1055 = arith.constant 0 : i32
        %lt3A_1056 = arith.cmpi slt, %select_n3A_1049, %lt3A_1055 : i32
        %ne3A_1057 = arith.xori %lt3A_1054, %lt3A_1056 : i1
        %and3A_1058 = arith.andi %ne3A_1057, %ne3A_1052 : i1
        %add3A_1059 = arith.addi %rem3A_1050, %select_n3A_1049 : i32
        %select_n3A_1060 = arith.select %and3A_1058, %add3A_1059, %rem3A_1050 : i32
        %dma_start3A_1061 = arith.constant 0 : i32
        %dma_start3A_1062 = arith.constant 0 : i32
        %dma_start3A_1063 = tpu.memref_slice %arg8[%select_n3A_1044, %dma_start3A_1061, %dma_start3A_1062] : memref<2x8x512xi32, #tpu.memory_space<vmem>> -> memref<1x8x512xi32, #tpu.memory_space<vmem>>
        %dma_start3A_1064 = tpu.memref_squeeze %dma_start3A_1063 : memref<1x8x512xi32, #tpu.memory_space<vmem>> -> memref<8x512xi32, #tpu.memory_space<vmem>>
        %dma_start3A_1065 = arith.constant 0 : i32
        %dma_start3A_1066 = tpu.memref_slice %arg4[%select_n3A_1012, %select_n3A_1028, %dma_start3A_1065] : memref<8x512x512xi32, #tpu.memory_space<hbm>> -> memref<1x8x512xi32, #tpu.memory_space<hbm>>
        %dma_start3A_1067 = tpu.memref_squeeze %dma_start3A_1066 : memref<1x8x512xi32, #tpu.memory_space<hbm>> -> memref<8x512xi32, #tpu.memory_space<hbm>>
        %dma_start3A_1068 = tpu.memref_slice %arg12[%select_n3A_1060] : memref<2x!tpu.dma_semaphore, #tpu.memory_space<semaphore_mem>> -> memref<1x!tpu.dma_semaphore, #tpu.memory_space<semaphore_mem>>
        %dma_start3A_1069 = tpu.memref_squeeze %dma_start3A_1068 : memref<1x!tpu.dma_semaphore, #tpu.memory_space<semaphore_mem>> -> memref<!tpu.dma_semaphore, #tpu.memory_space<semaphore_mem>>
        %dma_start3A_1070 = arith.constant 0 : i32
        %dma_start3A_1071 = arith.constant 0 : i32
        %dma_start3A_1072 = tpu.memref_slice %arg8[%select_n3A_1044, %dma_start3A_1070, %dma_start3A_1071] : memref<2x8x512xi32, #tpu.memory_space<vmem>> -> memref<1x8x512xi32, #tpu.memory_space<vmem>>
        %dma_start3A_1073 = tpu.memref_squeeze %dma_start3A_1072 : memref<1x8x512xi32, #tpu.memory_space<vmem>> -> memref<8x512xi32, #tpu.memory_space<vmem>>
        %dma_start3A_1074 = arith.constant 0 : i32
        %dma_start3A_1075 = tpu.memref_slice %arg4[%select_n3A_1012, %select_n3A_1028, %dma_start3A_1074] : memref<8x512x512xi32, #tpu.memory_space<hbm>> -> memref<1x8x512xi32, #tpu.memory_space<hbm>>
        %dma_start3A_1076 = tpu.memref_squeeze %dma_start3A_1075 : memref<1x8x512xi32, #tpu.memory_space<hbm>> -> memref<8x512xi32, #tpu.memory_space<hbm>>
        tpu.enqueue_dma source(%dma_start3A_1076 : memref<8x512xi32, #tpu.memory_space<hbm>>) target(%dma_start3A_1073 : memref<8x512xi32, #tpu.memory_space<vmem>>) target_semaphore(%dma_start3A_1069 : memref<!tpu.dma_semaphore, #tpu.memory_space<semaphore_mem>>)
      } else {
      }
      %mul3A_382 = arith.constant 8 : i32
      %mul3A_383 = arith.muli %scan3A_375, %mul3A_382 : i32
      %add3A_384 = arith.addi %mul3A_2, %mul3A_383 : i32
      %jit3A_385 = arith.constant 512 : i32
      %div3A_386 = arith.divsi %add3A_384, %jit3A_385 : i32
      %sign3A_387 = arith.constant 0 : i32
      %sign3A_388 = arith.cmpi sgt, %add3A_384, %sign3A_387 : i32
      %sign3A_389 = arith.extui %sign3A_388 : i1 to i32
      %sign3A_390 = arith.constant 0 : i32
      %sign3A_391 = arith.cmpi slt, %add3A_384, %sign3A_390 : i32
      %sign3A_392 = arith.extui %sign3A_391 : i1 to i32
      %sign3A_393 = arith.subi %sign3A_389, %sign3A_392 : i32
      %sign3A_394 = arith.constant 0 : i32
      %sign3A_395 = arith.cmpi sgt, %jit3A_385, %sign3A_394 : i32
      %sign3A_396 = arith.extui %sign3A_395 : i1 to i32
      %sign3A_397 = arith.constant 0 : i32
      %sign3A_398 = arith.cmpi slt, %jit3A_385, %sign3A_397 : i32
      %sign3A_399 = arith.extui %sign3A_398 : i1 to i32
      %sign3A_400 = arith.subi %sign3A_396, %sign3A_399 : i32
      %ne3A_401 = arith.cmpi ne, %sign3A_393, %sign3A_400 : i32
      %rem3A_402 = arith.remsi %add3A_384, %jit3A_385 : i32
      %ne3A_403 = arith.constant 0 : i32
      %ne3A_404 = arith.cmpi ne, %rem3A_402, %ne3A_403 : i32
      %and3A_405 = arith.andi %ne3A_401, %ne3A_404 : i1
      %sub3A_406 = arith.constant 1 : i32
      %sub3A_407 = arith.subi %div3A_386, %sub3A_406 : i32
      %select_n3A_408 = arith.select %and3A_405, %sub3A_407, %div3A_386 : i32
      %jit3A_409 = arith.constant 512 : i32
      %eq3A_410 = arith.constant 0 : i32
      %eq3A_411 = arith.cmpi eq, %jit3A_409, %eq3A_410 : i32
      %jit3A_412 = arith.constant 1 : i32
      %select_n3A_413 = arith.select %eq3A_411, %jit3A_412, %jit3A_409 : i32
      %rem3A_414 = arith.remsi %add3A_384, %select_n3A_413 : i32
      %ne3A_415 = arith.constant 0 : i32
      %ne3A_416 = arith.cmpi ne, %rem3A_414, %ne3A_415 : i32
      %lt3A_417 = arith.constant 0 : i32
      %lt3A_418 = arith.cmpi slt, %rem3A_414, %lt3A_417 : i32
      %lt3A_419 = arith.constant 0 : i32
      %lt3A_420 = arith.cmpi slt, %select_n3A_413, %lt3A_419 : i32
      %ne3A_421 = arith.xori %lt3A_418, %lt3A_420 : i1
      %and3A_422 = arith.andi %ne3A_421, %ne3A_416 : i1
      %add3A_423 = arith.addi %rem3A_414, %select_n3A_413 : i32
      %select_n3A_424 = arith.select %and3A_422, %add3A_423, %rem3A_414 : i32
      %jit3A_425 = arith.constant 2 : i32
      %eq3A_426 = arith.constant 0 : i32
      %eq3A_427 = arith.cmpi eq, %jit3A_425, %eq3A_426 : i32
      %jit3A_428 = arith.constant 1 : i32
      %select_n3A_429 = arith.select %eq3A_427, %jit3A_428, %jit3A_425 : i32
      %rem3A_430 = arith.remsi %scan3A_375, %select_n3A_429 : i32
      %ne3A_431 = arith.constant 0 : i32
      %ne3A_432 = arith.cmpi ne, %rem3A_430, %ne3A_431 : i32
      %lt3A_433 = arith.constant 0 : i32
      %lt3A_434 = arith.cmpi slt, %rem3A_430, %lt3A_433 : i32
      %lt3A_435 = arith.constant 0 : i32
      %lt3A_436 = arith.cmpi slt, %select_n3A_429, %lt3A_435 : i32
      %ne3A_437 = arith.xori %lt3A_434, %lt3A_436 : i1
      %and3A_438 = arith.andi %ne3A_437, %ne3A_432 : i1
      %add3A_439 = arith.addi %rem3A_430, %select_n3A_429 : i32
      %select_n3A_440 = arith.select %and3A_438, %add3A_439, %rem3A_430 : i32
      %jit3A_441 = arith.constant 2 : i32
      %eq3A_442 = arith.constant 0 : i32
      %eq3A_443 = arith.cmpi eq, %jit3A_441, %eq3A_442 : i32
      %jit3A_444 = arith.constant 1 : i32
      %select_n3A_445 = arith.select %eq3A_443, %jit3A_444, %jit3A_441 : i32
      %rem3A_446 = arith.remsi %scan3A_375, %select_n3A_445 : i32
      %ne3A_447 = arith.constant 0 : i32
      %ne3A_448 = arith.cmpi ne, %rem3A_446, %ne3A_447 : i32
      %lt3A_449 = arith.constant 0 : i32
      %lt3A_450 = arith.cmpi slt, %rem3A_446, %lt3A_449 : i32
      %lt3A_451 = arith.constant 0 : i32
      %lt3A_452 = arith.cmpi slt, %select_n3A_445, %lt3A_451 : i32
      %ne3A_453 = arith.xori %lt3A_450, %lt3A_452 : i1
      %and3A_454 = arith.andi %ne3A_453, %ne3A_448 : i1
      %add3A_455 = arith.addi %rem3A_446, %select_n3A_445 : i32
      %select_n3A_456 = arith.select %and3A_454, %add3A_455, %rem3A_446 : i32
      %dma_wait3A = arith.constant 0 : i32
      %dma_wait3A_457 = arith.constant 0 : i32
      %dma_wait3A_458 = tpu.memref_slice %arg7[%select_n3A_440, %dma_wait3A, %dma_wait3A_457] : memref<2x8x512xi32, #tpu.memory_space<vmem>> -> memref<1x8x512xi32, #tpu.memory_space<vmem>>
      %dma_wait3A_459 = tpu.memref_squeeze %dma_wait3A_458 : memref<1x8x512xi32, #tpu.memory_space<vmem>> -> memref<8x512xi32, #tpu.memory_space<vmem>>
      %dma_wait3A_460 = arith.constant 0 : i32
      %dma_wait3A_461 = tpu.memref_slice %arg3[%select_n3A_408, %select_n3A_424, %dma_wait3A_460] : memref<8x512x512xi32, #tpu.memory_space<hbm>> -> memref<1x8x512xi32, #tpu.memory_space<hbm>>
      %dma_wait3A_462 = tpu.memref_squeeze %dma_wait3A_461 : memref<1x8x512xi32, #tpu.memory_space<hbm>> -> memref<8x512xi32, #tpu.memory_space<hbm>>
      %dma_wait3A_463 = tpu.memref_slice %arg11[%select_n3A_456] : memref<2x!tpu.dma_semaphore, #tpu.memory_space<semaphore_mem>> -> memref<1x!tpu.dma_semaphore, #tpu.memory_space<semaphore_mem>>
      %dma_wait3A_464 = tpu.memref_squeeze %dma_wait3A_463 : memref<1x!tpu.dma_semaphore, #tpu.memory_space<semaphore_mem>> -> memref<!tpu.dma_semaphore, #tpu.memory_space<semaphore_mem>>
      %dma_wait3A_465 = arith.constant 0 : i32
      %dma_wait3A_466 = arith.constant 0 : i32
      %dma_wait3A_467 = tpu.memref_slice %arg7[%select_n3A_440, %dma_wait3A_465, %dma_wait3A_466] : memref<2x8x512xi32, #tpu.memory_space<vmem>> -> memref<1x8x512xi32, #tpu.memory_space<vmem>>
      %dma_wait3A_468 = tpu.memref_squeeze %dma_wait3A_467 : memref<1x8x512xi32, #tpu.memory_space<vmem>> -> memref<8x512xi32, #tpu.memory_space<vmem>>
      %dma_wait3A_469 = arith.constant 0 : i32
      %dma_wait3A_470 = tpu.memref_slice %arg3[%select_n3A_408, %select_n3A_424, %dma_wait3A_469] : memref<8x512x512xi32, #tpu.memory_space<hbm>> -> memref<1x8x512xi32, #tpu.memory_space<hbm>>
      %dma_wait3A_471 = tpu.memref_squeeze %dma_wait3A_470 : memref<1x8x512xi32, #tpu.memory_space<hbm>> -> memref<8x512xi32, #tpu.memory_space<hbm>>
      tpu.wait_dma2 semaphore(%dma_wait3A_464 : memref<!tpu.dma_semaphore, #tpu.memory_space<semaphore_mem>>) src(%dma_wait3A_471 : memref<8x512xi32, #tpu.memory_space<hbm>>) dst(%dma_wait3A_468 : memref<8x512xi32, #tpu.memory_space<vmem>>)
      %mul3A_472 = arith.constant 8 : i32
      %mul3A_473 = arith.muli %scan3A_375, %mul3A_472 : i32
      %add3A_474 = arith.addi %mul3A_2, %mul3A_473 : i32
      %jit3A_475 = arith.constant 512 : i32
      %div3A_476 = arith.divsi %add3A_474, %jit3A_475 : i32
      %sign3A_477 = arith.constant 0 : i32
      %sign3A_478 = arith.cmpi sgt, %add3A_474, %sign3A_477 : i32
      %sign3A_479 = arith.extui %sign3A_478 : i1 to i32
      %sign3A_480 = arith.constant 0 : i32
      %sign3A_481 = arith.cmpi slt, %add3A_474, %sign3A_480 : i32
      %sign3A_482 = arith.extui %sign3A_481 : i1 to i32
      %sign3A_483 = arith.subi %sign3A_479, %sign3A_482 : i32
      %sign3A_484 = arith.constant 0 : i32
      %sign3A_485 = arith.cmpi sgt, %jit3A_475, %sign3A_484 : i32
      %sign3A_486 = arith.extui %sign3A_485 : i1 to i32
      %sign3A_487 = arith.constant 0 : i32
      %sign3A_488 = arith.cmpi slt, %jit3A_475, %sign3A_487 : i32
      %sign3A_489 = arith.extui %sign3A_488 : i1 to i32
      %sign3A_490 = arith.subi %sign3A_486, %sign3A_489 : i32
      %ne3A_491 = arith.cmpi ne, %sign3A_483, %sign3A_490 : i32
      %rem3A_492 = arith.remsi %add3A_474, %jit3A_475 : i32
      %ne3A_493 = arith.constant 0 : i32
      %ne3A_494 = arith.cmpi ne, %rem3A_492, %ne3A_493 : i32
      %and3A_495 = arith.andi %ne3A_491, %ne3A_494 : i1
      %sub3A_496 = arith.constant 1 : i32
      %sub3A_497 = arith.subi %div3A_476, %sub3A_496 : i32
      %select_n3A_498 = arith.select %and3A_495, %sub3A_497, %div3A_476 : i32
      %jit3A_499 = arith.constant 512 : i32
      %eq3A_500 = arith.constant 0 : i32
      %eq3A_501 = arith.cmpi eq, %jit3A_499, %eq3A_500 : i32
      %jit3A_502 = arith.constant 1 : i32
      %select_n3A_503 = arith.select %eq3A_501, %jit3A_502, %jit3A_499 : i32
      %rem3A_504 = arith.remsi %add3A_474, %select_n3A_503 : i32
      %ne3A_505 = arith.constant 0 : i32
      %ne3A_506 = arith.cmpi ne, %rem3A_504, %ne3A_505 : i32
      %lt3A_507 = arith.constant 0 : i32
      %lt3A_508 = arith.cmpi slt, %rem3A_504, %lt3A_507 : i32
      %lt3A_509 = arith.constant 0 : i32
      %lt3A_510 = arith.cmpi slt, %select_n3A_503, %lt3A_509 : i32
      %ne3A_511 = arith.xori %lt3A_508, %lt3A_510 : i1
      %and3A_512 = arith.andi %ne3A_511, %ne3A_506 : i1
      %add3A_513 = arith.addi %rem3A_504, %select_n3A_503 : i32
      %select_n3A_514 = arith.select %and3A_512, %add3A_513, %rem3A_504 : i32
      %jit3A_515 = arith.constant 2 : i32
      %eq3A_516 = arith.constant 0 : i32
      %eq3A_517 = arith.cmpi eq, %jit3A_515, %eq3A_516 : i32
      %jit3A_518 = arith.constant 1 : i32
      %select_n3A_519 = arith.select %eq3A_517, %jit3A_518, %jit3A_515 : i32
      %rem3A_520 = arith.remsi %scan3A_375, %select_n3A_519 : i32
      %ne3A_521 = arith.constant 0 : i32
      %ne3A_522 = arith.cmpi ne, %rem3A_520, %ne3A_521 : i32
      %lt3A_523 = arith.constant 0 : i32
      %lt3A_524 = arith.cmpi slt, %rem3A_520, %lt3A_523 : i32
      %lt3A_525 = arith.constant 0 : i32
      %lt3A_526 = arith.cmpi slt, %select_n3A_519, %lt3A_525 : i32
      %ne3A_527 = arith.xori %lt3A_524, %lt3A_526 : i1
      %and3A_528 = arith.andi %ne3A_527, %ne3A_522 : i1
      %add3A_529 = arith.addi %rem3A_520, %select_n3A_519 : i32
      %select_n3A_530 = arith.select %and3A_528, %add3A_529, %rem3A_520 : i32
      %jit3A_531 = arith.constant 2 : i32
      %eq3A_532 = arith.constant 0 : i32
      %eq3A_533 = arith.cmpi eq, %jit3A_531, %eq3A_532 : i32
      %jit3A_534 = arith.constant 1 : i32
      %select_n3A_535 = arith.select %eq3A_533, %jit3A_534, %jit3A_531 : i32
      %rem3A_536 = arith.remsi %scan3A_375, %select_n3A_535 : i32
      %ne3A_537 = arith.constant 0 : i32
      %ne3A_538 = arith.cmpi ne, %rem3A_536, %ne3A_537 : i32
      %lt3A_539 = arith.constant 0 : i32
      %lt3A_540 = arith.cmpi slt, %rem3A_536, %lt3A_539 : i32
      %lt3A_541 = arith.constant 0 : i32
      %lt3A_542 = arith.cmpi slt, %select_n3A_535, %lt3A_541 : i32
      %ne3A_543 = arith.xori %lt3A_540, %lt3A_542 : i1
      %and3A_544 = arith.andi %ne3A_543, %ne3A_538 : i1
      %add3A_545 = arith.addi %rem3A_536, %select_n3A_535 : i32
      %select_n3A_546 = arith.select %and3A_544, %add3A_545, %rem3A_536 : i32
      %dma_wait3A_547 = arith.constant 0 : i32
      %dma_wait3A_548 = arith.constant 0 : i32
      %dma_wait3A_549 = tpu.memref_slice %arg8[%select_n3A_530, %dma_wait3A_547, %dma_wait3A_548] : memref<2x8x512xi32, #tpu.memory_space<vmem>> -> memref<1x8x512xi32, #tpu.memory_space<vmem>>
      %dma_wait3A_550 = tpu.memref_squeeze %dma_wait3A_549 : memref<1x8x512xi32, #tpu.memory_space<vmem>> -> memref<8x512xi32, #tpu.memory_space<vmem>>
      %dma_wait3A_551 = arith.constant 0 : i32
      %dma_wait3A_552 = tpu.memref_slice %arg4[%select_n3A_498, %select_n3A_514, %dma_wait3A_551] : memref<8x512x512xi32, #tpu.memory_space<hbm>> -> memref<1x8x512xi32, #tpu.memory_space<hbm>>
      %dma_wait3A_553 = tpu.memref_squeeze %dma_wait3A_552 : memref<1x8x512xi32, #tpu.memory_space<hbm>> -> memref<8x512xi32, #tpu.memory_space<hbm>>
      %dma_wait3A_554 = tpu.memref_slice %arg12[%select_n3A_546] : memref<2x!tpu.dma_semaphore, #tpu.memory_space<semaphore_mem>> -> memref<1x!tpu.dma_semaphore, #tpu.memory_space<semaphore_mem>>
      %dma_wait3A_555 = tpu.memref_squeeze %dma_wait3A_554 : memref<1x!tpu.dma_semaphore, #tpu.memory_space<semaphore_mem>> -> memref<!tpu.dma_semaphore, #tpu.memory_space<semaphore_mem>>
      %dma_wait3A_556 = arith.constant 0 : i32
      %dma_wait3A_557 = arith.constant 0 : i32
      %dma_wait3A_558 = tpu.memref_slice %arg8[%select_n3A_530, %dma_wait3A_556, %dma_wait3A_557] : memref<2x8x512xi32, #tpu.memory_space<vmem>> -> memref<1x8x512xi32, #tpu.memory_space<vmem>>
      %dma_wait3A_559 = tpu.memref_squeeze %dma_wait3A_558 : memref<1x8x512xi32, #tpu.memory_space<vmem>> -> memref<8x512xi32, #tpu.memory_space<vmem>>
      %dma_wait3A_560 = arith.constant 0 : i32
      %dma_wait3A_561 = tpu.memref_slice %arg4[%select_n3A_498, %select_n3A_514, %dma_wait3A_560] : memref<8x512x512xi32, #tpu.memory_space<hbm>> -> memref<1x8x512xi32, #tpu.memory_space<hbm>>
      %dma_wait3A_562 = tpu.memref_squeeze %dma_wait3A_561 : memref<1x8x512xi32, #tpu.memory_space<hbm>> -> memref<8x512xi32, #tpu.memory_space<hbm>>
      tpu.wait_dma2 semaphore(%dma_wait3A_555 : memref<!tpu.dma_semaphore, #tpu.memory_space<semaphore_mem>>) src(%dma_wait3A_562 : memref<8x512xi32, #tpu.memory_space<hbm>>) dst(%dma_wait3A_559 : memref<8x512xi32, #tpu.memory_space<vmem>>)
      %mul3A_563 = arith.constant 8 : i32
      %mul3A_564 = arith.muli %scan3A_375, %mul3A_563 : i32
      %add3A_565 = arith.addi %mul3A_2, %mul3A_564 : i32
      %jit3A_566 = arith.constant 512 : i32
      %div3A_567 = arith.divsi %add3A_565, %jit3A_566 : i32
      %sign3A_568 = arith.constant 0 : i32
      %sign3A_569 = arith.cmpi sgt, %add3A_565, %sign3A_568 : i32
      %sign3A_570 = arith.extui %sign3A_569 : i1 to i32
      %sign3A_571 = arith.constant 0 : i32
      %sign3A_572 = arith.cmpi slt, %add3A_565, %sign3A_571 : i32
      %sign3A_573 = arith.extui %sign3A_572 : i1 to i32
      %sign3A_574 = arith.subi %sign3A_570, %sign3A_573 : i32
      %sign3A_575 = arith.constant 0 : i32
      %sign3A_576 = arith.cmpi sgt, %jit3A_566, %sign3A_575 : i32
      %sign3A_577 = arith.extui %sign3A_576 : i1 to i32
      %sign3A_578 = arith.constant 0 : i32
      %sign3A_579 = arith.cmpi slt, %jit3A_566, %sign3A_578 : i32
      %sign3A_580 = arith.extui %sign3A_579 : i1 to i32
      %sign3A_581 = arith.subi %sign3A_577, %sign3A_580 : i32
      %ne3A_582 = arith.cmpi ne, %sign3A_574, %sign3A_581 : i32
      %rem3A_583 = arith.remsi %add3A_565, %jit3A_566 : i32
      %ne3A_584 = arith.constant 0 : i32
      %ne3A_585 = arith.cmpi ne, %rem3A_583, %ne3A_584 : i32
      %and3A_586 = arith.andi %ne3A_582, %ne3A_585 : i1
      %sub3A_587 = arith.constant 1 : i32
      %sub3A_588 = arith.subi %div3A_567, %sub3A_587 : i32
      %select_n3A_589 = arith.select %and3A_586, %sub3A_588, %div3A_567 : i32
      %jit3A_590 = arith.constant 512 : i32
      %eq3A_591 = arith.constant 0 : i32
      %eq3A_592 = arith.cmpi eq, %jit3A_590, %eq3A_591 : i32
      %jit3A_593 = arith.constant 1 : i32
      %select_n3A_594 = arith.select %eq3A_592, %jit3A_593, %jit3A_590 : i32
      %rem3A_595 = arith.remsi %add3A_565, %select_n3A_594 : i32
      %ne3A_596 = arith.constant 0 : i32
      %ne3A_597 = arith.cmpi ne, %rem3A_595, %ne3A_596 : i32
      %lt3A_598 = arith.constant 0 : i32
      %lt3A_599 = arith.cmpi slt, %rem3A_595, %lt3A_598 : i32
      %lt3A_600 = arith.constant 0 : i32
      %lt3A_601 = arith.cmpi slt, %select_n3A_594, %lt3A_600 : i32
      %ne3A_602 = arith.xori %lt3A_599, %lt3A_601 : i1
      %and3A_603 = arith.andi %ne3A_602, %ne3A_597 : i1
      %add3A_604 = arith.addi %rem3A_595, %select_n3A_594 : i32
      %select_n3A_605 = arith.select %and3A_603, %add3A_604, %rem3A_595 : i32
      %dma_wait3A_606 = arith.constant 0 : i32
      %dma_wait3A_607 = arith.constant 0 : i32
      %dma_wait3A_608 = arith.constant 0 : i32
      %dma_wait3A_609 = arith.constant 0 : i32
      %dma_wait3A_610 = arith.constant 0 : i32
      %dma_wait3A_611 = tpu.memref_slice %arg6[%dma_wait3A_606, %dma_wait3A_608, %dma_wait3A_609, %dma_wait3A_610] : memref<4x19x8x128xf32, #tpu.memory_space<vmem>> -> memref<1x19x8x128xf32, #tpu.memory_space<vmem>>
      %dma_wait3A_612 = tpu.memref_squeeze %dma_wait3A_611 : memref<1x19x8x128xf32, #tpu.memory_space<vmem>> -> memref<19x8x128xf32, #tpu.memory_space<vmem>>
      %dma_wait3A_613 = arith.constant 0 : i32
      %dma_wait3A_614 = arith.constant 0 : i32
      %dma_wait3A_615 = tpu.memref_slice %arg2[%select_n3A_589, %dma_wait3A_613, %select_n3A_605, %dma_wait3A_614] : memref<8x19x512x512xf32, #tpu.memory_space<hbm>> -> memref<1x19x8x128xf32, #tpu.memory_space<hbm>>
      %dma_wait3A_616 = tpu.memref_squeeze %dma_wait3A_615 : memref<1x19x8x128xf32, #tpu.memory_space<hbm>> -> memref<19x8x128xf32, #tpu.memory_space<hbm>>
      %dma_wait3A_617 = tpu.memref_slice %arg10[%dma_wait3A_607] : memref<4x!tpu.dma_semaphore, #tpu.memory_space<semaphore_mem>> -> memref<1x!tpu.dma_semaphore, #tpu.memory_space<semaphore_mem>>
      %dma_wait3A_618 = tpu.memref_squeeze %dma_wait3A_617 : memref<1x!tpu.dma_semaphore, #tpu.memory_space<semaphore_mem>> -> memref<!tpu.dma_semaphore, #tpu.memory_space<semaphore_mem>>
      %dma_wait3A_619 = arith.constant 0 : i32
      %dma_wait3A_620 = arith.constant 0 : i32
      %dma_wait3A_621 = arith.constant 0 : i32
      %dma_wait3A_622 = tpu.memref_slice %arg6[%dma_wait3A_606, %dma_wait3A_619, %dma_wait3A_620, %dma_wait3A_621] : memref<4x19x8x128xf32, #tpu.memory_space<vmem>> -> memref<1x19x8x128xf32, #tpu.memory_space<vmem>>
      %dma_wait3A_623 = tpu.memref_squeeze %dma_wait3A_622 : memref<1x19x8x128xf32, #tpu.memory_space<vmem>> -> memref<19x8x128xf32, #tpu.memory_space<vmem>>
      %dma_wait3A_624 = arith.constant 0 : i32
      %dma_wait3A_625 = arith.constant 0 : i32
      %dma_wait3A_626 = tpu.memref_slice %arg2[%select_n3A_589, %dma_wait3A_624, %select_n3A_605, %dma_wait3A_625] : memref<8x19x512x512xf32, #tpu.memory_space<hbm>> -> memref<1x19x8x128xf32, #tpu.memory_space<hbm>>
      %dma_wait3A_627 = tpu.memref_squeeze %dma_wait3A_626 : memref<1x19x8x128xf32, #tpu.memory_space<hbm>> -> memref<19x8x128xf32, #tpu.memory_space<hbm>>
      tpu.wait_dma2 semaphore(%dma_wait3A_618 : memref<!tpu.dma_semaphore, #tpu.memory_space<semaphore_mem>>) src(%dma_wait3A_627 : memref<19x8x128xf32, #tpu.memory_space<hbm>>) dst(%dma_wait3A_623 : memref<19x8x128xf32, #tpu.memory_space<vmem>>)
      %broadcast_in_dim3A_628 = arith.constant 0.000000e+00 : f32
      %broadcast_in_dim3A_629 = vector.broadcast %broadcast_in_dim3A_628 : f32 to vector<16xf32>
      %scan3A_630 = arith.constant 0 : i32
      %scan3A_631 = arith.constant 0 : i32
      %scan3A_632 = arith.constant 64 : i32
      %scan3A_633 = arith.addi %scan3A_631, %scan3A_632 : i32
      %scan3A_634 = arith.constant 1 : i32
      %scan3A_635 = scf.for %scan3A_891 = %scan3A_631 to %scan3A_633 step %scan3A_634 iter_args(%scan3A_892 = %broadcast_in_dim3A_629) -> (vector<16xf32>)  : i32 {
        %shift_right_arithmetic3A = arith.constant 3 : i32
        %shift_right_arithmetic3A_893 = arith.shrsi %scan3A_891, %shift_right_arithmetic3A : i32
        %and3A_894 = arith.constant 7 : i32
        %and3A_895 = arith.andi %scan3A_891, %and3A_894 : i32
        %jit3A_896 = arith.constant 2 : i32
        %eq3A_897 = arith.constant 0 : i32
        %eq3A_898 = arith.cmpi eq, %jit3A_896, %eq3A_897 : i32
        %jit3A_899 = arith.constant 1 : i32
        %select_n3A_900 = arith.select %eq3A_898, %jit3A_899, %jit3A_896 : i32
        %rem3A_901 = arith.remsi %scan3A_375, %select_n3A_900 : i32
        %ne3A_902 = arith.constant 0 : i32
        %ne3A_903 = arith.cmpi ne, %rem3A_901, %ne3A_902 : i32
        %lt3A_904 = arith.constant 0 : i32
        %lt3A_905 = arith.cmpi slt, %rem3A_901, %lt3A_904 : i32
        %lt3A_906 = arith.constant 0 : i32
        %lt3A_907 = arith.cmpi slt, %select_n3A_900, %lt3A_906 : i32
        %ne3A_908 = arith.xori %lt3A_905, %lt3A_907 : i1
        %and3A_909 = arith.andi %ne3A_908, %ne3A_903 : i1
        %add3A_910 = arith.addi %rem3A_901, %select_n3A_900 : i32
        %select_n3A_911 = arith.select %and3A_909, %add3A_910, %rem3A_901 : i32
        %mul3A_912 = arith.constant 16 : i32
        %mul3A_913 = arith.muli %and3A_895, %mul3A_912 : i32
        %add3A_914 = arith.constant 0 : i32
        %add3A_915 = arith.addi %add3A_914, %mul3A_913 : i32
        %get3A = arith.index_cast %select_n3A_911 : i32 to index
        %get3A_916 = arith.index_cast %shift_right_arithmetic3A_893 : i32 to index
        %get3A_917 = arith.index_cast %add3A_915 : i32 to index
        %get3A_918 = tpu.vector_load %arg7[%get3A, %get3A_916, %get3A_917] {strides = array<i32>} : memref<2x8x512xi32, #tpu.memory_space<vmem>>, vector<16xi32>,
        %jit3A_919 = arith.constant 2 : i32
        %eq3A_920 = arith.constant 0 : i32
        %eq3A_921 = arith.cmpi eq, %jit3A_919, %eq3A_920 : i32
        %jit3A_922 = arith.constant 1 : i32
        %select_n3A_923 = arith.select %eq3A_921, %jit3A_922, %jit3A_919 : i32
        %rem3A_924 = arith.remsi %scan3A_375, %select_n3A_923 : i32
        %ne3A_925 = arith.constant 0 : i32
        %ne3A_926 = arith.cmpi ne, %rem3A_924, %ne3A_925 : i32
        %lt3A_927 = arith.constant 0 : i32
        %lt3A_928 = arith.cmpi slt, %rem3A_924, %lt3A_927 : i32
        %lt3A_929 = arith.constant 0 : i32
        %lt3A_930 = arith.cmpi slt, %select_n3A_923, %lt3A_929 : i32
        %ne3A_931 = arith.xori %lt3A_928, %lt3A_930 : i1
        %and3A_932 = arith.andi %ne3A_931, %ne3A_926 : i1
        %add3A_933 = arith.addi %rem3A_924, %select_n3A_923 : i32
        %select_n3A_934 = arith.select %and3A_932, %add3A_933, %rem3A_924 : i32
        %mul3A_935 = arith.constant 16 : i32
        %mul3A_936 = arith.muli %and3A_895, %mul3A_935 : i32
        %add3A_937 = arith.constant 0 : i32
        %add3A_938 = arith.addi %add3A_937, %mul3A_936 : i32
        %get3A_939 = arith.index_cast %select_n3A_934 : i32 to index
        %get3A_940 = arith.index_cast %shift_right_arithmetic3A_893 : i32 to index
        %get3A_941 = arith.index_cast %add3A_938 : i32 to index
        %get3A_942 = tpu.vector_load %arg8[%get3A_939, %get3A_940, %get3A_941] {strides = array<i32>} : memref<2x8x512xi32, #tpu.memory_space<vmem>>, vector<16xi32>,
        %broadcast_in_dim3A_943 = vector.broadcast %shift_right_arithmetic3A_893 : i32 to vector<16xi32>
        %mul3A_944 = arith.constant 16 : i32
        %mul3A_945 = arith.muli %and3A_895, %mul3A_944 : i32
        %add3A_946 = vector.broadcast %mul3A_945 : i32 to vector<16xi32>
        %add3A_947 = arith.addi %add3A_946, %iota3A : vector<16xi32>
        %gather3A = arith.constant 0 : i32
        %gather3A_948 = arith.constant 0 : i32
        %gather3A_949 = arith.constant 0 : i32
        %gather3A_950 = tpu.memref_slice %arg6[%scan3A_630, %gather3A, %gather3A_948, %gather3A_949] : memref<4x19x8x128xf32, #tpu.memory_space<vmem>> -> memref<1x19x8x128xf32, #tpu.memory_space<vmem>>
        %gather3A_951 = tpu.memref_squeeze %gather3A_950 : memref<1x19x8x128xf32, #tpu.memory_space<vmem>> -> memref<19x8x128xf32, #tpu.memory_space<vmem>>
        %gather3A_952 = tpu.vector_load_idx %gather3A_951[%get3A_918, %broadcast_in_dim3A_943, %add3A_947] : memref<19x8x128xf32, #tpu.memory_space<vmem>>[vector<16xi32>, vector<16xi32>, vector<16xi32>], vector<16xf32>,
        %gt3A = arith.constant 0 : i32
        %gt3A_953 = vector.broadcast %gt3A : i32 to vector<16xi32>
        %gt3A_954 = arith.cmpi sgt, %get3A_942, %gt3A_953 : vector<16xi32>
        %broadcast_in_dim3A_955 = arith.constant 0.000000e+00 : f32
        %broadcast_in_dim3A_956 = vector.broadcast %broadcast_in_dim3A_955 : f32 to vector<16xf32>
        %select_n3A_957 = arith.select %gt3A_954, %gather3A_952, %broadcast_in_dim3A_956 : vector<16xi1>, vector<16xf32>
        %add3A_958 = arith.addf %scan3A_892, %select_n3A_957 : vector<16xf32>
        scf.yield %add3A_958 : vector<16xf32>
      }
      %scan3A_636 = arith.constant 64 : i32
      %add3A_637 = arith.addf %scan3A_376, %scan3A_635 : vector<16xf32>
      %add3A_638 = arith.constant 1 : i32
      %add3A_639 = arith.addi %scan3A_375, %add3A_638 : i32
      %lt3A_640 = arith.constant 8 : i32
      %lt3A_641 = arith.cmpi slt, %add3A_639, %lt3A_640 : i32
      %convert_element_type3A_642 = arith.extui %lt3A_641 : i1 to i32
      %cond3A_643 = arith.constant 0 : i32
      %cond3A_644 = arith.cmpi ne, %convert_element_type3A_642, %cond3A_643 : i32
      scf.if %cond3A_644 {
        %add3A_891 = arith.constant 1 : i32
        %add3A_892 = arith.addi %scan3A_375, %add3A_891 : i32
        %mul3A_893 = arith.constant 8 : i32
        %mul3A_894 = arith.muli %add3A_892, %mul3A_893 : i32
        %add3A_895 = arith.addi %mul3A_2, %mul3A_894 : i32
        %jit3A_896 = arith.constant 512 : i32
        %div3A_897 = arith.divsi %add3A_895, %jit3A_896 : i32
        %sign3A_898 = arith.constant 0 : i32
        %sign3A_899 = arith.cmpi sgt, %add3A_895, %sign3A_898 : i32
        %sign3A_900 = arith.extui %sign3A_899 : i1 to i32
        %sign3A_901 = arith.constant 0 : i32
        %sign3A_902 = arith.cmpi slt, %add3A_895, %sign3A_901 : i32
        %sign3A_903 = arith.extui %sign3A_902 : i1 to i32
        %sign3A_904 = arith.subi %sign3A_900, %sign3A_903 : i32
        %sign3A_905 = arith.constant 0 : i32
        %sign3A_906 = arith.cmpi sgt, %jit3A_896, %sign3A_905 : i32
        %sign3A_907 = arith.extui %sign3A_906 : i1 to i32
        %sign3A_908 = arith.constant 0 : i32
        %sign3A_909 = arith.cmpi slt, %jit3A_896, %sign3A_908 : i32
        %sign3A_910 = arith.extui %sign3A_909 : i1 to i32
        %sign3A_911 = arith.subi %sign3A_907, %sign3A_910 : i32
        %ne3A_912 = arith.cmpi ne, %sign3A_904, %sign3A_911 : i32
        %rem3A_913 = arith.remsi %add3A_895, %jit3A_896 : i32
        %ne3A_914 = arith.constant 0 : i32
        %ne3A_915 = arith.cmpi ne, %rem3A_913, %ne3A_914 : i32
        %and3A_916 = arith.andi %ne3A_912, %ne3A_915 : i1
        %sub3A_917 = arith.constant 1 : i32
        %sub3A_918 = arith.subi %div3A_897, %sub3A_917 : i32
        %select_n3A_919 = arith.select %and3A_916, %sub3A_918, %div3A_897 : i32
        %jit3A_920 = arith.constant 512 : i32
        %eq3A_921 = arith.constant 0 : i32
        %eq3A_922 = arith.cmpi eq, %jit3A_920, %eq3A_921 : i32
        %jit3A_923 = arith.constant 1 : i32
        %select_n3A_924 = arith.select %eq3A_922, %jit3A_923, %jit3A_920 : i32
        %rem3A_925 = arith.remsi %add3A_895, %select_n3A_924 : i32
        %ne3A_926 = arith.constant 0 : i32
        %ne3A_927 = arith.cmpi ne, %rem3A_925, %ne3A_926 : i32
        %lt3A_928 = arith.constant 0 : i32
        %lt3A_929 = arith.cmpi slt, %rem3A_925, %lt3A_928 : i32
        %lt3A_930 = arith.constant 0 : i32
        %lt3A_931 = arith.cmpi slt, %select_n3A_924, %lt3A_930 : i32
        %ne3A_932 = arith.xori %lt3A_929, %lt3A_931 : i1
        %and3A_933 = arith.andi %ne3A_932, %ne3A_927 : i1
        %add3A_934 = arith.addi %rem3A_925, %select_n3A_924 : i32
        %select_n3A_935 = arith.select %and3A_933, %add3A_934, %rem3A_925 : i32
        %dma_start3A_936 = arith.constant 0 : i32
        %dma_start3A_937 = arith.constant 0 : i32
        %dma_start3A_938 = arith.constant 0 : i32
        %dma_start3A_939 = arith.constant 0 : i32
        %dma_start3A_940 = arith.constant 0 : i32
        %dma_start3A_941 = tpu.memref_slice %arg6[%dma_start3A_936, %dma_start3A_938, %dma_start3A_939, %dma_start3A_940] : memref<4x19x8x128xf32, #tpu.memory_space<vmem>> -> memref<1x19x8x128xf32, #tpu.memory_space<vmem>>
        %dma_start3A_942 = tpu.memref_squeeze %dma_start3A_941 : memref<1x19x8x128xf32, #tpu.memory_space<vmem>> -> memref<19x8x128xf32, #tpu.memory_space<vmem>>
        %dma_start3A_943 = arith.constant 0 : i32
        %dma_start3A_944 = arith.constant 0 : i32
        %dma_start3A_945 = tpu.memref_slice %arg2[%select_n3A_919, %dma_start3A_943, %select_n3A_935, %dma_start3A_944] : memref<8x19x512x512xf32, #tpu.memory_space<hbm>> -> memref<1x19x8x128xf32, #tpu.memory_space<hbm>>
        %dma_start3A_946 = tpu.memref_squeeze %dma_start3A_945 : memref<1x19x8x128xf32, #tpu.memory_space<hbm>> -> memref<19x8x128xf32, #tpu.memory_space<hbm>>
        %dma_start3A_947 = tpu.memref_slice %arg10[%dma_start3A_937] : memref<4x!tpu.dma_semaphore, #tpu.memory_space<semaphore_mem>> -> memref<1x!tpu.dma_semaphore, #tpu.memory_space<semaphore_mem>>
        %dma_start3A_948 = tpu.memref_squeeze %dma_start3A_947 : memref<1x!tpu.dma_semaphore, #tpu.memory_space<semaphore_mem>> -> memref<!tpu.dma_semaphore, #tpu.memory_space<semaphore_mem>>
        %dma_start3A_949 = arith.constant 0 : i32
        %dma_start3A_950 = arith.constant 0 : i32
        %dma_start3A_951 = arith.constant 0 : i32
        %dma_start3A_952 = tpu.memref_slice %arg6[%dma_start3A_936, %dma_start3A_949, %dma_start3A_950, %dma_start3A_951] : memref<4x19x8x128xf32, #tpu.memory_space<vmem>> -> memref<1x19x8x128xf32, #tpu.memory_space<vmem>>
        %dma_start3A_953 = tpu.memref_squeeze %dma_start3A_952 : memref<1x19x8x128xf32, #tpu.memory_space<vmem>> -> memref<19x8x128xf32, #tpu.memory_space<vmem>>
        %dma_start3A_954 = arith.constant 0 : i32
        %dma_start3A_955 = arith.constant 0 : i32
        %dma_start3A_956 = tpu.memref_slice %arg2[%select_n3A_919, %dma_start3A_954, %select_n3A_935, %dma_start3A_955] : memref<8x19x512x512xf32, #tpu.memory_space<hbm>> -> memref<1x19x8x128xf32, #tpu.memory_space<hbm>>
        %dma_start3A_957 = tpu.memref_squeeze %dma_start3A_956 : memref<1x19x8x128xf32, #tpu.memory_space<hbm>> -> memref<19x8x128xf32, #tpu.memory_space<hbm>>
        tpu.enqueue_dma source(%dma_start3A_957 : memref<19x8x128xf32, #tpu.memory_space<hbm>>) target(%dma_start3A_953 : memref<19x8x128xf32, #tpu.memory_space<vmem>>) target_semaphore(%dma_start3A_948 : memref<!tpu.dma_semaphore, #tpu.memory_space<semaphore_mem>>)
      } else {
      }
      %mul3A_645 = arith.constant 8 : i32
      %mul3A_646 = arith.muli %scan3A_375, %mul3A_645 : i32
      %add3A_647 = arith.addi %mul3A_2, %mul3A_646 : i32
      %jit3A_648 = arith.constant 512 : i32
      %div3A_649 = arith.divsi %add3A_647, %jit3A_648 : i32
      %sign3A_650 = arith.constant 0 : i32
      %sign3A_651 = arith.cmpi sgt, %add3A_647, %sign3A_650 : i32
      %sign3A_652 = arith.extui %sign3A_651 : i1 to i32
      %sign3A_653 = arith.constant 0 : i32
      %sign3A_654 = arith.cmpi slt, %add3A_647, %sign3A_653 : i32
      %sign3A_655 = arith.extui %sign3A_654 : i1 to i32
      %sign3A_656 = arith.subi %sign3A_652, %sign3A_655 : i32
      %sign3A_657 = arith.constant 0 : i32
      %sign3A_658 = arith.cmpi sgt, %jit3A_648, %sign3A_657 : i32
      %sign3A_659 = arith.extui %sign3A_658 : i1 to i32
      %sign3A_660 = arith.constant 0 : i32
      %sign3A_661 = arith.cmpi slt, %jit3A_648, %sign3A_660 : i32
      %sign3A_662 = arith.extui %sign3A_661 : i1 to i32
      %sign3A_663 = arith.subi %sign3A_659, %sign3A_662 : i32
      %ne3A_664 = arith.cmpi ne, %sign3A_656, %sign3A_663 : i32
      %rem3A_665 = arith.remsi %add3A_647, %jit3A_648 : i32
      %ne3A_666 = arith.constant 0 : i32
      %ne3A_667 = arith.cmpi ne, %rem3A_665, %ne3A_666 : i32
      %and3A_668 = arith.andi %ne3A_664, %ne3A_667 : i1
      %sub3A_669 = arith.constant 1 : i32
      %sub3A_670 = arith.subi %div3A_649, %sub3A_669 : i32
      %select_n3A_671 = arith.select %and3A_668, %sub3A_670, %div3A_649 : i32
      %jit3A_672 = arith.constant 512 : i32
      %eq3A_673 = arith.constant 0 : i32
      %eq3A_674 = arith.cmpi eq, %jit3A_672, %eq3A_673 : i32
      %jit3A_675 = arith.constant 1 : i32
      %select_n3A_676 = arith.select %eq3A_674, %jit3A_675, %jit3A_672 : i32
      %rem3A_677 = arith.remsi %add3A_647, %select_n3A_676 : i32
      %ne3A_678 = arith.constant 0 : i32
      %ne3A_679 = arith.cmpi ne, %rem3A_677, %ne3A_678 : i32
      %lt3A_680 = arith.constant 0 : i32
      %lt3A_681 = arith.cmpi slt, %rem3A_677, %lt3A_680 : i32
      %lt3A_682 = arith.constant 0 : i32
      %lt3A_683 = arith.cmpi slt, %select_n3A_676, %lt3A_682 : i32
      %ne3A_684 = arith.xori %lt3A_681, %lt3A_683 : i1
      %and3A_685 = arith.andi %ne3A_684, %ne3A_679 : i1
      %add3A_686 = arith.addi %rem3A_677, %select_n3A_676 : i32
      %select_n3A_687 = arith.select %and3A_685, %add3A_686, %rem3A_677 : i32
      %dma_wait3A_688 = arith.constant 1 : i32
      %dma_wait3A_689 = arith.constant 1 : i32
      %dma_wait3A_690 = arith.constant 0 : i32
      %dma_wait3A_691 = arith.constant 0 : i32
      %dma_wait3A_692 = arith.constant 0 : i32
      %dma_wait3A_693 = tpu.memref_slice %arg6[%dma_wait3A_688, %dma_wait3A_690, %dma_wait3A_691, %dma_wait3A_692] : memref<4x19x8x128xf32, #tpu.memory_space<vmem>> -> memref<1x19x8x128xf32, #tpu.memory_space<vmem>>
      %dma_wait3A_694 = tpu.memref_squeeze %dma_wait3A_693 : memref<1x19x8x128xf32, #tpu.memory_space<vmem>> -> memref<19x8x128xf32, #tpu.memory_space<vmem>>
      %dma_wait3A_695 = arith.constant 0 : i32
      %dma_wait3A_696 = arith.constant 128 : i32
      %dma_wait3A_697 = tpu.memref_slice %arg2[%select_n3A_671, %dma_wait3A_695, %select_n3A_687, %dma_wait3A_696] : memref<8x19x512x512xf32, #tpu.memory_space<hbm>> -> memref<1x19x8x128xf32, #tpu.memory_space<hbm>>
      %dma_wait3A_698 = tpu.memref_squeeze %dma_wait3A_697 : memref<1x19x8x128xf32, #tpu.memory_space<hbm>> -> memref<19x8x128xf32, #tpu.memory_space<hbm>>
      %dma_wait3A_699 = tpu.memref_slice %arg10[%dma_wait3A_689] : memref<4x!tpu.dma_semaphore, #tpu.memory_space<semaphore_mem>> -> memref<1x!tpu.dma_semaphore, #tpu.memory_space<semaphore_mem>>
      %dma_wait3A_700 = tpu.memref_squeeze %dma_wait3A_699 : memref<1x!tpu.dma_semaphore, #tpu.memory_space<semaphore_mem>> -> memref<!tpu.dma_semaphore, #tpu.memory_space<semaphore_mem>>
      %dma_wait3A_701 = arith.constant 0 : i32
      %dma_wait3A_702 = arith.constant 0 : i32
      %dma_wait3A_703 = arith.constant 0 : i32
      %dma_wait3A_704 = tpu.memref_slice %arg6[%dma_wait3A_688, %dma_wait3A_701, %dma_wait3A_702, %dma_wait3A_703] : memref<4x19x8x128xf32, #tpu.memory_space<vmem>> -> memref<1x19x8x128xf32, #tpu.memory_space<vmem>>
      %dma_wait3A_705 = tpu.memref_squeeze %dma_wait3A_704 : memref<1x19x8x128xf32, #tpu.memory_space<vmem>> -> memref<19x8x128xf32, #tpu.memory_space<vmem>>
      %dma_wait3A_706 = arith.constant 0 : i32
      %dma_wait3A_707 = arith.constant 128 : i32
      %dma_wait3A_708 = tpu.memref_slice %arg2[%select_n3A_671, %dma_wait3A_706, %select_n3A_687, %dma_wait3A_707] : memref<8x19x512x512xf32, #tpu.memory_space<hbm>> -> memref<1x19x8x128xf32, #tpu.memory_space<hbm>>
      %dma_wait3A_709 = tpu.memref_squeeze %dma_wait3A_708 : memref<1x19x8x128xf32, #tpu.memory_space<hbm>> -> memref<19x8x128xf32, #tpu.memory_space<hbm>>
      tpu.wait_dma2 semaphore(%dma_wait3A_700 : memref<!tpu.dma_semaphore, #tpu.memory_space<semaphore_mem>>) src(%dma_wait3A_709 : memref<19x8x128xf32, #tpu.memory_space<hbm>>) dst(%dma_wait3A_705 : memref<19x8x128xf32, #tpu.memory_space<vmem>>)
      %broadcast_in_dim3A_710 = arith.constant 0.000000e+00 : f32
      %broadcast_in_dim3A_711 = vector.broadcast %broadcast_in_dim3A_710 : f32 to vector<16xf32>
      %scan3A_712 = arith.constant 1 : i32
      %scan3A_713 = arith.constant 0 : i32
      %scan3A_714 = arith.constant 64 : i32
      %scan3A_715 = arith.addi %scan3A_713, %scan3A_714 : i32
      %scan3A_716 = arith.constant 1 : i32
      %scan3A_717 = scf.for %scan3A_891 = %scan3A_713 to %scan3A_715 step %scan3A_716 iter_args(%scan3A_892 = %broadcast_in_dim3A_711) -> (vector<16xf32>)  : i32 {
        %shift_right_arithmetic3A = arith.constant 3 : i32
        %shift_right_arithmetic3A_893 = arith.shrsi %scan3A_891, %shift_right_arithmetic3A : i32
        %and3A_894 = arith.constant 7 : i32
        %and3A_895 = arith.andi %scan3A_891, %and3A_894 : i32
        %jit3A_896 = arith.constant 2 : i32
        %eq3A_897 = arith.constant 0 : i32
        %eq3A_898 = arith.cmpi eq, %jit3A_896, %eq3A_897 : i32
        %jit3A_899 = arith.constant 1 : i32
        %select_n3A_900 = arith.select %eq3A_898, %jit3A_899, %jit3A_896 : i32
        %rem3A_901 = arith.remsi %scan3A_375, %select_n3A_900 : i32
        %ne3A_902 = arith.constant 0 : i32
        %ne3A_903 = arith.cmpi ne, %rem3A_901, %ne3A_902 : i32
        %lt3A_904 = arith.constant 0 : i32
        %lt3A_905 = arith.cmpi slt, %rem3A_901, %lt3A_904 : i32
        %lt3A_906 = arith.constant 0 : i32
        %lt3A_907 = arith.cmpi slt, %select_n3A_900, %lt3A_906 : i32
        %ne3A_908 = arith.xori %lt3A_905, %lt3A_907 : i1
        %and3A_909 = arith.andi %ne3A_908, %ne3A_903 : i1
        %add3A_910 = arith.addi %rem3A_901, %select_n3A_900 : i32
        %select_n3A_911 = arith.select %and3A_909, %add3A_910, %rem3A_901 : i32
        %mul3A_912 = arith.constant 16 : i32
        %mul3A_913 = arith.muli %and3A_895, %mul3A_912 : i32
        %add3A_914 = arith.constant 128 : i32
        %add3A_915 = arith.addi %add3A_914, %mul3A_913 : i32
        %get3A = arith.index_cast %select_n3A_911 : i32 to index
        %get3A_916 = arith.index_cast %shift_right_arithmetic3A_893 : i32 to index
        %get3A_917 = arith.index_cast %add3A_915 : i32 to index
        %get3A_918 = tpu.vector_load %arg7[%get3A, %get3A_916, %get3A_917] {strides = array<i32>} : memref<2x8x512xi32, #tpu.memory_space<vmem>>, vector<16xi32>,
        %jit3A_919 = arith.constant 2 : i32
        %eq3A_920 = arith.constant 0 : i32
        %eq3A_921 = arith.cmpi eq, %jit3A_919, %eq3A_920 : i32
        %jit3A_922 = arith.constant 1 : i32
        %select_n3A_923 = arith.select %eq3A_921, %jit3A_922, %jit3A_919 : i32
        %rem3A_924 = arith.remsi %scan3A_375, %select_n3A_923 : i32
        %ne3A_925 = arith.constant 0 : i32
        %ne3A_926 = arith.cmpi ne, %rem3A_924, %ne3A_925 : i32
        %lt3A_927 = arith.constant 0 : i32
        %lt3A_928 = arith.cmpi slt, %rem3A_924, %lt3A_927 : i32
        %lt3A_929 = arith.constant 0 : i32
        %lt3A_930 = arith.cmpi slt, %select_n3A_923, %lt3A_929 : i32
        %ne3A_931 = arith.xori %lt3A_928, %lt3A_930 : i1
        %and3A_932 = arith.andi %ne3A_931, %ne3A_926 : i1
        %add3A_933 = arith.addi %rem3A_924, %select_n3A_923 : i32
        %select_n3A_934 = arith.select %and3A_932, %add3A_933, %rem3A_924 : i32
        %mul3A_935 = arith.constant 16 : i32
        %mul3A_936 = arith.muli %and3A_895, %mul3A_935 : i32
        %add3A_937 = arith.constant 128 : i32
        %add3A_938 = arith.addi %add3A_937, %mul3A_936 : i32
        %get3A_939 = arith.index_cast %select_n3A_934 : i32 to index
        %get3A_940 = arith.index_cast %shift_right_arithmetic3A_893 : i32 to index
        %get3A_941 = arith.index_cast %add3A_938 : i32 to index
        %get3A_942 = tpu.vector_load %arg8[%get3A_939, %get3A_940, %get3A_941] {strides = array<i32>} : memref<2x8x512xi32, #tpu.memory_space<vmem>>, vector<16xi32>,
        %broadcast_in_dim3A_943 = vector.broadcast %shift_right_arithmetic3A_893 : i32 to vector<16xi32>
        %mul3A_944 = arith.constant 16 : i32
        %mul3A_945 = arith.muli %and3A_895, %mul3A_944 : i32
        %add3A_946 = vector.broadcast %mul3A_945 : i32 to vector<16xi32>
        %add3A_947 = arith.addi %add3A_946, %iota3A : vector<16xi32>
        %gather3A = arith.constant 0 : i32
        %gather3A_948 = arith.constant 0 : i32
        %gather3A_949 = arith.constant 0 : i32
        %gather3A_950 = tpu.memref_slice %arg6[%scan3A_712, %gather3A, %gather3A_948, %gather3A_949] : memref<4x19x8x128xf32, #tpu.memory_space<vmem>> -> memref<1x19x8x128xf32, #tpu.memory_space<vmem>>
        %gather3A_951 = tpu.memref_squeeze %gather3A_950 : memref<1x19x8x128xf32, #tpu.memory_space<vmem>> -> memref<19x8x128xf32, #tpu.memory_space<vmem>>
        %gather3A_952 = tpu.vector_load_idx %gather3A_951[%get3A_918, %broadcast_in_dim3A_943, %add3A_947] : memref<19x8x128xf32, #tpu.memory_space<vmem>>[vector<16xi32>, vector<16xi32>, vector<16xi32>], vector<16xf32>,
        %gt3A = arith.constant 0 : i32
        %gt3A_953 = vector.broadcast %gt3A : i32 to vector<16xi32>
        %gt3A_954 = arith.cmpi sgt, %get3A_942, %gt3A_953 : vector<16xi32>
        %broadcast_in_dim3A_955 = arith.constant 0.000000e+00 : f32
        %broadcast_in_dim3A_956 = vector.broadcast %broadcast_in_dim3A_955 : f32 to vector<16xf32>
        %select_n3A_957 = arith.select %gt3A_954, %gather3A_952, %broadcast_in_dim3A_956 : vector<16xi1>, vector<16xf32>
        %add3A_958 = arith.addf %scan3A_892, %select_n3A_957 : vector<16xf32>
        scf.yield %add3A_958 : vector<16xf32>
      }
      %scan3A_718 = arith.constant 64 : i32
      %add3A_719 = arith.addf %add3A_637, %scan3A_717 : vector<16xf32>
      %add3A_720 = arith.constant 1 : i32
      %add3A_721 = arith.addi %scan3A_375, %add3A_720 : i32
      %lt3A_722 = arith.constant 8 : i32
      %lt3A_723 = arith.cmpi slt, %add3A_721, %lt3A_722 : i32
      %convert_element_type3A_724 = arith.extui %lt3A_723 : i1 to i32
      %cond3A_725 = arith.constant 0 : i32
      %cond3A_726 = arith.cmpi ne, %convert_element_type3A_724, %cond3A_725 : i32
      scf.if %cond3A_726 {
        %add3A_891 = arith.constant 1 : i32
        %add3A_892 = arith.addi %scan3A_375, %add3A_891 : i32
        %mul3A_893 = arith.constant 8 : i32
        %mul3A_894 = arith.muli %add3A_892, %mul3A_893 : i32
        %add3A_895 = arith.addi %mul3A_2, %mul3A_894 : i32
        %jit3A_896 = arith.constant 512 : i32
        %div3A_897 = arith.divsi %add3A_895, %jit3A_896 : i32
        %sign3A_898 = arith.constant 0 : i32
        %sign3A_899 = arith.cmpi sgt, %add3A_895, %sign3A_898 : i32
        %sign3A_900 = arith.extui %sign3A_899 : i1 to i32
        %sign3A_901 = arith.constant 0 : i32
        %sign3A_902 = arith.cmpi slt, %add3A_895, %sign3A_901 : i32
        %sign3A_903 = arith.extui %sign3A_902 : i1 to i32
        %sign3A_904 = arith.subi %sign3A_900, %sign3A_903 : i32
        %sign3A_905 = arith.constant 0 : i32
        %sign3A_906 = arith.cmpi sgt, %jit3A_896, %sign3A_905 : i32
        %sign3A_907 = arith.extui %sign3A_906 : i1 to i32
        %sign3A_908 = arith.constant 0 : i32
        %sign3A_909 = arith.cmpi slt, %jit3A_896, %sign3A_908 : i32
        %sign3A_910 = arith.extui %sign3A_909 : i1 to i32
        %sign3A_911 = arith.subi %sign3A_907, %sign3A_910 : i32
        %ne3A_912 = arith.cmpi ne, %sign3A_904, %sign3A_911 : i32
        %rem3A_913 = arith.remsi %add3A_895, %jit3A_896 : i32
        %ne3A_914 = arith.constant 0 : i32
        %ne3A_915 = arith.cmpi ne, %rem3A_913, %ne3A_914 : i32
        %and3A_916 = arith.andi %ne3A_912, %ne3A_915 : i1
        %sub3A_917 = arith.constant 1 : i32
        %sub3A_918 = arith.subi %div3A_897, %sub3A_917 : i32
        %select_n3A_919 = arith.select %and3A_916, %sub3A_918, %div3A_897 : i32
        %jit3A_920 = arith.constant 512 : i32
        %eq3A_921 = arith.constant 0 : i32
        %eq3A_922 = arith.cmpi eq, %jit3A_920, %eq3A_921 : i32
        %jit3A_923 = arith.constant 1 : i32
        %select_n3A_924 = arith.select %eq3A_922, %jit3A_923, %jit3A_920 : i32
        %rem3A_925 = arith.remsi %add3A_895, %select_n3A_924 : i32
        %ne3A_926 = arith.constant 0 : i32
        %ne3A_927 = arith.cmpi ne, %rem3A_925, %ne3A_926 : i32
        %lt3A_928 = arith.constant 0 : i32
        %lt3A_929 = arith.cmpi slt, %rem3A_925, %lt3A_928 : i32
        %lt3A_930 = arith.constant 0 : i32
        %lt3A_931 = arith.cmpi slt, %select_n3A_924, %lt3A_930 : i32
        %ne3A_932 = arith.xori %lt3A_929, %lt3A_931 : i1
        %and3A_933 = arith.andi %ne3A_932, %ne3A_927 : i1
        %add3A_934 = arith.addi %rem3A_925, %select_n3A_924 : i32
        %select_n3A_935 = arith.select %and3A_933, %add3A_934, %rem3A_925 : i32
        %dma_start3A_936 = arith.constant 1 : i32
        %dma_start3A_937 = arith.constant 1 : i32
        %dma_start3A_938 = arith.constant 0 : i32
        %dma_start3A_939 = arith.constant 0 : i32
        %dma_start3A_940 = arith.constant 0 : i32
        %dma_start3A_941 = tpu.memref_slice %arg6[%dma_start3A_936, %dma_start3A_938, %dma_start3A_939, %dma_start3A_940] : memref<4x19x8x128xf32, #tpu.memory_space<vmem>> -> memref<1x19x8x128xf32, #tpu.memory_space<vmem>>
        %dma_start3A_942 = tpu.memref_squeeze %dma_start3A_941 : memref<1x19x8x128xf32, #tpu.memory_space<vmem>> -> memref<19x8x128xf32, #tpu.memory_space<vmem>>
        %dma_start3A_943 = arith.constant 0 : i32
        %dma_start3A_944 = arith.constant 128 : i32
        %dma_start3A_945 = tpu.memref_slice %arg2[%select_n3A_919, %dma_start3A_943, %select_n3A_935, %dma_start3A_944] : memref<8x19x512x512xf32, #tpu.memory_space<hbm>> -> memref<1x19x8x128xf32, #tpu.memory_space<hbm>>
        %dma_start3A_946 = tpu.memref_squeeze %dma_start3A_945 : memref<1x19x8x128xf32, #tpu.memory_space<hbm>> -> memref<19x8x128xf32, #tpu.memory_space<hbm>>
        %dma_start3A_947 = tpu.memref_slice %arg10[%dma_start3A_937] : memref<4x!tpu.dma_semaphore, #tpu.memory_space<semaphore_mem>> -> memref<1x!tpu.dma_semaphore, #tpu.memory_space<semaphore_mem>>
        %dma_start3A_948 = tpu.memref_squeeze %dma_start3A_947 : memref<1x!tpu.dma_semaphore, #tpu.memory_space<semaphore_mem>> -> memref<!tpu.dma_semaphore, #tpu.memory_space<semaphore_mem>>
        %dma_start3A_949 = arith.constant 0 : i32
        %dma_start3A_950 = arith.constant 0 : i32
        %dma_start3A_951 = arith.constant 0 : i32
        %dma_start3A_952 = tpu.memref_slice %arg6[%dma_start3A_936, %dma_start3A_949, %dma_start3A_950, %dma_start3A_951] : memref<4x19x8x128xf32, #tpu.memory_space<vmem>> -> memref<1x19x8x128xf32, #tpu.memory_space<vmem>>
        %dma_start3A_953 = tpu.memref_squeeze %dma_start3A_952 : memref<1x19x8x128xf32, #tpu.memory_space<vmem>> -> memref<19x8x128xf32, #tpu.memory_space<vmem>>
        %dma_start3A_954 = arith.constant 0 : i32
        %dma_start3A_955 = arith.constant 128 : i32
        %dma_start3A_956 = tpu.memref_slice %arg2[%select_n3A_919, %dma_start3A_954, %select_n3A_935, %dma_start3A_955] : memref<8x19x512x512xf32, #tpu.memory_space<hbm>> -> memref<1x19x8x128xf32, #tpu.memory_space<hbm>>
        %dma_start3A_957 = tpu.memref_squeeze %dma_start3A_956 : memref<1x19x8x128xf32, #tpu.memory_space<hbm>> -> memref<19x8x128xf32, #tpu.memory_space<hbm>>
        tpu.enqueue_dma source(%dma_start3A_957 : memref<19x8x128xf32, #tpu.memory_space<hbm>>) target(%dma_start3A_953 : memref<19x8x128xf32, #tpu.memory_space<vmem>>) target_semaphore(%dma_start3A_948 : memref<!tpu.dma_semaphore, #tpu.memory_space<semaphore_mem>>)
      } else {
      }
      %mul3A_727 = arith.constant 8 : i32
      %mul3A_728 = arith.muli %scan3A_375, %mul3A_727 : i32
      %add3A_729 = arith.addi %mul3A_2, %mul3A_728 : i32
      %jit3A_730 = arith.constant 512 : i32
      %div3A_731 = arith.divsi %add3A_729, %jit3A_730 : i32
      %sign3A_732 = arith.constant 0 : i32
      %sign3A_733 = arith.cmpi sgt, %add3A_729, %sign3A_732 : i32
      %sign3A_734 = arith.extui %sign3A_733 : i1 to i32
      %sign3A_735 = arith.constant 0 : i32
      %sign3A_736 = arith.cmpi slt, %add3A_729, %sign3A_735 : i32
      %sign3A_737 = arith.extui %sign3A_736 : i1 to i32
      %sign3A_738 = arith.subi %sign3A_734, %sign3A_737 : i32
      %sign3A_739 = arith.constant 0 : i32
      %sign3A_740 = arith.cmpi sgt, %jit3A_730, %sign3A_739 : i32
      %sign3A_741 = arith.extui %sign3A_740 : i1 to i32
      %sign3A_742 = arith.constant 0 : i32
      %sign3A_743 = arith.cmpi slt, %jit3A_730, %sign3A_742 : i32
      %sign3A_744 = arith.extui %sign3A_743 : i1 to i32
      %sign3A_745 = arith.subi %sign3A_741, %sign3A_744 : i32
      %ne3A_746 = arith.cmpi ne, %sign3A_738, %sign3A_745 : i32
      %rem3A_747 = arith.remsi %add3A_729, %jit3A_730 : i32
      %ne3A_748 = arith.constant 0 : i32
      %ne3A_749 = arith.cmpi ne, %rem3A_747, %ne3A_748 : i32
      %and3A_750 = arith.andi %ne3A_746, %ne3A_749 : i1
      %sub3A_751 = arith.constant 1 : i32
      %sub3A_752 = arith.subi %div3A_731, %sub3A_751 : i32
      %select_n3A_753 = arith.select %and3A_750, %sub3A_752, %div3A_731 : i32
      %jit3A_754 = arith.constant 512 : i32
      %eq3A_755 = arith.constant 0 : i32
      %eq3A_756 = arith.cmpi eq, %jit3A_754, %eq3A_755 : i32
      %jit3A_757 = arith.constant 1 : i32
      %select_n3A_758 = arith.select %eq3A_756, %jit3A_757, %jit3A_754 : i32
      %rem3A_759 = arith.remsi %add3A_729, %select_n3A_758 : i32
      %ne3A_760 = arith.constant 0 : i32
      %ne3A_761 = arith.cmpi ne, %rem3A_759, %ne3A_760 : i32
      %lt3A_762 = arith.constant 0 : i32
      %lt3A_763 = arith.cmpi slt, %rem3A_759, %lt3A_762 : i32
      %lt3A_764 = arith.constant 0 : i32
      %lt3A_765 = arith.cmpi slt, %select_n3A_758, %lt3A_764 : i32
      %ne3A_766 = arith.xori %lt3A_763, %lt3A_765 : i1
      %and3A_767 = arith.andi %ne3A_766, %ne3A_761 : i1
      %add3A_768 = arith.addi %rem3A_759, %select_n3A_758 : i32
      %select_n3A_769 = arith.select %and3A_767, %add3A_768, %rem3A_759 : i32
      %dma_wait3A_770 = arith.constant 2 : i32
      %dma_wait3A_771 = arith.constant 2 : i32
      %dma_wait3A_772 = arith.constant 0 : i32
      %dma_wait3A_773 = arith.constant 0 : i32
      %dma_wait3A_774 = arith.constant 0 : i32
      %dma_wait3A_775 = tpu.memref_slice %arg6[%dma_wait3A_770, %dma_wait3A_772, %dma_wait3A_773, %dma_wait3A_774] : memref<4x19x8x128xf32, #tpu.memory_space<vmem>> -> memref<1x19x8x128xf32, #tpu.memory_space<vmem>>
      %dma_wait3A_776 = tpu.memref_squeeze %dma_wait3A_775 : memref<1x19x8x128xf32, #tpu.memory_space<vmem>> -> memref<19x8x128xf32, #tpu.memory_space<vmem>>
      %dma_wait3A_777 = arith.constant 0 : i32
      %dma_wait3A_778 = arith.constant 256 : i32
      %dma_wait3A_779 = tpu.memref_slice %arg2[%select_n3A_753, %dma_wait3A_777, %select_n3A_769, %dma_wait3A_778] : memref<8x19x512x512xf32, #tpu.memory_space<hbm>> -> memref<1x19x8x128xf32, #tpu.memory_space<hbm>>
      %dma_wait3A_780 = tpu.memref_squeeze %dma_wait3A_779 : memref<1x19x8x128xf32, #tpu.memory_space<hbm>> -> memref<19x8x128xf32, #tpu.memory_space<hbm>>
      %dma_wait3A_781 = tpu.memref_slice %arg10[%dma_wait3A_771] : memref<4x!tpu.dma_semaphore, #tpu.memory_space<semaphore_mem>> -> memref<1x!tpu.dma_semaphore, #tpu.memory_space<semaphore_mem>>
      %dma_wait3A_782 = tpu.memref_squeeze %dma_wait3A_781 : memref<1x!tpu.dma_semaphore, #tpu.memory_space<semaphore_mem>> -> memref<!tpu.dma_semaphore, #tpu.memory_space<semaphore_mem>>
      %dma_wait3A_783 = arith.constant 0 : i32
      %dma_wait3A_784 = arith.constant 0 : i32
      %dma_wait3A_785 = arith.constant 0 : i32
      %dma_wait3A_786 = tpu.memref_slice %arg6[%dma_wait3A_770, %dma_wait3A_783, %dma_wait3A_784, %dma_wait3A_785] : memref<4x19x8x128xf32, #tpu.memory_space<vmem>> -> memref<1x19x8x128xf32, #tpu.memory_space<vmem>>
      %dma_wait3A_787 = tpu.memref_squeeze %dma_wait3A_786 : memref<1x19x8x128xf32, #tpu.memory_space<vmem>> -> memref<19x8x128xf32, #tpu.memory_space<vmem>>
      %dma_wait3A_788 = arith.constant 0 : i32
      %dma_wait3A_789 = arith.constant 256 : i32
      %dma_wait3A_790 = tpu.memref_slice %arg2[%select_n3A_753, %dma_wait3A_788, %select_n3A_769, %dma_wait3A_789] : memref<8x19x512x512xf32, #tpu.memory_space<hbm>> -> memref<1x19x8x128xf32, #tpu.memory_space<hbm>>
      %dma_wait3A_791 = tpu.memref_squeeze %dma_wait3A_790 : memref<1x19x8x128xf32, #tpu.memory_space<hbm>> -> memref<19x8x128xf32, #tpu.memory_space<hbm>>
      tpu.wait_dma2 semaphore(%dma_wait3A_782 : memref<!tpu.dma_semaphore, #tpu.memory_space<semaphore_mem>>) src(%dma_wait3A_791 : memref<19x8x128xf32, #tpu.memory_space<hbm>>) dst(%dma_wait3A_787 : memref<19x8x128xf32, #tpu.memory_space<vmem>>)
      %broadcast_in_dim3A_792 = arith.constant 0.000000e+00 : f32
      %broadcast_in_dim3A_793 = vector.broadcast %broadcast_in_dim3A_792 : f32 to vector<16xf32>
      %scan3A_794 = arith.constant 2 : i32
      %scan3A_795 = arith.constant 0 : i32
      %scan3A_796 = arith.constant 64 : i32
      %scan3A_797 = arith.addi %scan3A_795, %scan3A_796 : i32
      %scan3A_798 = arith.constant 1 : i32
      %scan3A_799 = scf.for %scan3A_891 = %scan3A_795 to %scan3A_797 step %scan3A_798 iter_args(%scan3A_892 = %broadcast_in_dim3A_793) -> (vector<16xf32>)  : i32 {
        %shift_right_arithmetic3A = arith.constant 3 : i32
        %shift_right_arithmetic3A_893 = arith.shrsi %scan3A_891, %shift_right_arithmetic3A : i32
        %and3A_894 = arith.constant 7 : i32
        %and3A_895 = arith.andi %scan3A_891, %and3A_894 : i32
        %jit3A_896 = arith.constant 2 : i32
        %eq3A_897 = arith.constant 0 : i32
        %eq3A_898 = arith.cmpi eq, %jit3A_896, %eq3A_897 : i32
        %jit3A_899 = arith.constant 1 : i32
        %select_n3A_900 = arith.select %eq3A_898, %jit3A_899, %jit3A_896 : i32
        %rem3A_901 = arith.remsi %scan3A_375, %select_n3A_900 : i32
        %ne3A_902 = arith.constant 0 : i32
        %ne3A_903 = arith.cmpi ne, %rem3A_901, %ne3A_902 : i32
        %lt3A_904 = arith.constant 0 : i32
        %lt3A_905 = arith.cmpi slt, %rem3A_901, %lt3A_904 : i32
        %lt3A_906 = arith.constant 0 : i32
        %lt3A_907 = arith.cmpi slt, %select_n3A_900, %lt3A_906 : i32
        %ne3A_908 = arith.xori %lt3A_905, %lt3A_907 : i1
        %and3A_909 = arith.andi %ne3A_908, %ne3A_903 : i1
        %add3A_910 = arith.addi %rem3A_901, %select_n3A_900 : i32
        %select_n3A_911 = arith.select %and3A_909, %add3A_910, %rem3A_901 : i32
        %mul3A_912 = arith.constant 16 : i32
        %mul3A_913 = arith.muli %and3A_895, %mul3A_912 : i32
        %add3A_914 = arith.constant 256 : i32
        %add3A_915 = arith.addi %add3A_914, %mul3A_913 : i32
        %get3A = arith.index_cast %select_n3A_911 : i32 to index
        %get3A_916 = arith.index_cast %shift_right_arithmetic3A_893 : i32 to index
        %get3A_917 = arith.index_cast %add3A_915 : i32 to index
        %get3A_918 = tpu.vector_load %arg7[%get3A, %get3A_916, %get3A_917] {strides = array<i32>} : memref<2x8x512xi32, #tpu.memory_space<vmem>>, vector<16xi32>,
        %jit3A_919 = arith.constant 2 : i32
        %eq3A_920 = arith.constant 0 : i32
        %eq3A_921 = arith.cmpi eq, %jit3A_919, %eq3A_920 : i32
        %jit3A_922 = arith.constant 1 : i32
        %select_n3A_923 = arith.select %eq3A_921, %jit3A_922, %jit3A_919 : i32
        %rem3A_924 = arith.remsi %scan3A_375, %select_n3A_923 : i32
        %ne3A_925 = arith.constant 0 : i32
        %ne3A_926 = arith.cmpi ne, %rem3A_924, %ne3A_925 : i32
        %lt3A_927 = arith.constant 0 : i32
        %lt3A_928 = arith.cmpi slt, %rem3A_924, %lt3A_927 : i32
        %lt3A_929 = arith.constant 0 : i32
        %lt3A_930 = arith.cmpi slt, %select_n3A_923, %lt3A_929 : i32
        %ne3A_931 = arith.xori %lt3A_928, %lt3A_930 : i1
        %and3A_932 = arith.andi %ne3A_931, %ne3A_926 : i1
        %add3A_933 = arith.addi %rem3A_924, %select_n3A_923 : i32
        %select_n3A_934 = arith.select %and3A_932, %add3A_933, %rem3A_924 : i32
        %mul3A_935 = arith.constant 16 : i32
        %mul3A_936 = arith.muli %and3A_895, %mul3A_935 : i32
        %add3A_937 = arith.constant 256 : i32
        %add3A_938 = arith.addi %add3A_937, %mul3A_936 : i32
        %get3A_939 = arith.index_cast %select_n3A_934 : i32 to index
        %get3A_940 = arith.index_cast %shift_right_arithmetic3A_893 : i32 to index
        %get3A_941 = arith.index_cast %add3A_938 : i32 to index
        %get3A_942 = tpu.vector_load %arg8[%get3A_939, %get3A_940, %get3A_941] {strides = array<i32>} : memref<2x8x512xi32, #tpu.memory_space<vmem>>, vector<16xi32>,
        %broadcast_in_dim3A_943 = vector.broadcast %shift_right_arithmetic3A_893 : i32 to vector<16xi32>
        %mul3A_944 = arith.constant 16 : i32
        %mul3A_945 = arith.muli %and3A_895, %mul3A_944 : i32
        %add3A_946 = vector.broadcast %mul3A_945 : i32 to vector<16xi32>
        %add3A_947 = arith.addi %add3A_946, %iota3A : vector<16xi32>
        %gather3A = arith.constant 0 : i32
        %gather3A_948 = arith.constant 0 : i32
        %gather3A_949 = arith.constant 0 : i32
        %gather3A_950 = tpu.memref_slice %arg6[%scan3A_794, %gather3A, %gather3A_948, %gather3A_949] : memref<4x19x8x128xf32, #tpu.memory_space<vmem>> -> memref<1x19x8x128xf32, #tpu.memory_space<vmem>>
        %gather3A_951 = tpu.memref_squeeze %gather3A_950 : memref<1x19x8x128xf32, #tpu.memory_space<vmem>> -> memref<19x8x128xf32, #tpu.memory_space<vmem>>
        %gather3A_952 = tpu.vector_load_idx %gather3A_951[%get3A_918, %broadcast_in_dim3A_943, %add3A_947] : memref<19x8x128xf32, #tpu.memory_space<vmem>>[vector<16xi32>, vector<16xi32>, vector<16xi32>], vector<16xf32>,
        %gt3A = arith.constant 0 : i32
        %gt3A_953 = vector.broadcast %gt3A : i32 to vector<16xi32>
        %gt3A_954 = arith.cmpi sgt, %get3A_942, %gt3A_953 : vector<16xi32>
        %broadcast_in_dim3A_955 = arith.constant 0.000000e+00 : f32
        %broadcast_in_dim3A_956 = vector.broadcast %broadcast_in_dim3A_955 : f32 to vector<16xf32>
        %select_n3A_957 = arith.select %gt3A_954, %gather3A_952, %broadcast_in_dim3A_956 : vector<16xi1>, vector<16xf32>
        %add3A_958 = arith.addf %scan3A_892, %select_n3A_957 : vector<16xf32>
        scf.yield %add3A_958 : vector<16xf32>
      }
      %scan3A_800 = arith.constant 64 : i32
      %add3A_801 = arith.addf %add3A_719, %scan3A_799 : vector<16xf32>
      %add3A_802 = arith.constant 1 : i32
      %add3A_803 = arith.addi %scan3A_375, %add3A_802 : i32
      %lt3A_804 = arith.constant 8 : i32
      %lt3A_805 = arith.cmpi slt, %add3A_803, %lt3A_804 : i32
      %convert_element_type3A_806 = arith.extui %lt3A_805 : i1 to i32
      %cond3A_807 = arith.constant 0 : i32
      %cond3A_808 = arith.cmpi ne, %convert_element_type3A_806, %cond3A_807 : i32
      scf.if %cond3A_808 {
        %add3A_891 = arith.constant 1 : i32
        %add3A_892 = arith.addi %scan3A_375, %add3A_891 : i32
        %mul3A_893 = arith.constant 8 : i32
        %mul3A_894 = arith.muli %add3A_892, %mul3A_893 : i32
        %add3A_895 = arith.addi %mul3A_2, %mul3A_894 : i32
        %jit3A_896 = arith.constant 512 : i32
        %div3A_897 = arith.divsi %add3A_895, %jit3A_896 : i32
        %sign3A_898 = arith.constant 0 : i32
        %sign3A_899 = arith.cmpi sgt, %add3A_895, %sign3A_898 : i32
        %sign3A_900 = arith.extui %sign3A_899 : i1 to i32
        %sign3A_901 = arith.constant 0 : i32
        %sign3A_902 = arith.cmpi slt, %add3A_895, %sign3A_901 : i32
        %sign3A_903 = arith.extui %sign3A_902 : i1 to i32
        %sign3A_904 = arith.subi %sign3A_900, %sign3A_903 : i32
        %sign3A_905 = arith.constant 0 : i32
        %sign3A_906 = arith.cmpi sgt, %jit3A_896, %sign3A_905 : i32
        %sign3A_907 = arith.extui %sign3A_906 : i1 to i32
        %sign3A_908 = arith.constant 0 : i32
        %sign3A_909 = arith.cmpi slt, %jit3A_896, %sign3A_908 : i32
        %sign3A_910 = arith.extui %sign3A_909 : i1 to i32
        %sign3A_911 = arith.subi %sign3A_907, %sign3A_910 : i32
        %ne3A_912 = arith.cmpi ne, %sign3A_904, %sign3A_911 : i32
        %rem3A_913 = arith.remsi %add3A_895, %jit3A_896 : i32
        %ne3A_914 = arith.constant 0 : i32
        %ne3A_915 = arith.cmpi ne, %rem3A_913, %ne3A_914 : i32
        %and3A_916 = arith.andi %ne3A_912, %ne3A_915 : i1
        %sub3A_917 = arith.constant 1 : i32
        %sub3A_918 = arith.subi %div3A_897, %sub3A_917 : i32
        %select_n3A_919 = arith.select %and3A_916, %sub3A_918, %div3A_897 : i32
        %jit3A_920 = arith.constant 512 : i32
        %eq3A_921 = arith.constant 0 : i32
        %eq3A_922 = arith.cmpi eq, %jit3A_920, %eq3A_921 : i32
        %jit3A_923 = arith.constant 1 : i32
        %select_n3A_924 = arith.select %eq3A_922, %jit3A_923, %jit3A_920 : i32
        %rem3A_925 = arith.remsi %add3A_895, %select_n3A_924 : i32
        %ne3A_926 = arith.constant 0 : i32
        %ne3A_927 = arith.cmpi ne, %rem3A_925, %ne3A_926 : i32
        %lt3A_928 = arith.constant 0 : i32
        %lt3A_929 = arith.cmpi slt, %rem3A_925, %lt3A_928 : i32
        %lt3A_930 = arith.constant 0 : i32
        %lt3A_931 = arith.cmpi slt, %select_n3A_924, %lt3A_930 : i32
        %ne3A_932 = arith.xori %lt3A_929, %lt3A_931 : i1
        %and3A_933 = arith.andi %ne3A_932, %ne3A_927 : i1
        %add3A_934 = arith.addi %rem3A_925, %select_n3A_924 : i32
        %select_n3A_935 = arith.select %and3A_933, %add3A_934, %rem3A_925 : i32
        %dma_start3A_936 = arith.constant 2 : i32
        %dma_start3A_937 = arith.constant 2 : i32
        %dma_start3A_938 = arith.constant 0 : i32
        %dma_start3A_939 = arith.constant 0 : i32
        %dma_start3A_940 = arith.constant 0 : i32
        %dma_start3A_941 = tpu.memref_slice %arg6[%dma_start3A_936, %dma_start3A_938, %dma_start3A_939, %dma_start3A_940] : memref<4x19x8x128xf32, #tpu.memory_space<vmem>> -> memref<1x19x8x128xf32, #tpu.memory_space<vmem>>
        %dma_start3A_942 = tpu.memref_squeeze %dma_start3A_941 : memref<1x19x8x128xf32, #tpu.memory_space<vmem>> -> memref<19x8x128xf32, #tpu.memory_space<vmem>>
        %dma_start3A_943 = arith.constant 0 : i32
        %dma_start3A_944 = arith.constant 256 : i32
        %dma_start3A_945 = tpu.memref_slice %arg2[%select_n3A_919, %dma_start3A_943, %select_n3A_935, %dma_start3A_944] : memref<8x19x512x512xf32, #tpu.memory_space<hbm>> -> memref<1x19x8x128xf32, #tpu.memory_space<hbm>>
        %dma_start3A_946 = tpu.memref_squeeze %dma_start3A_945 : memref<1x19x8x128xf32, #tpu.memory_space<hbm>> -> memref<19x8x128xf32, #tpu.memory_space<hbm>>
        %dma_start3A_947 = tpu.memref_slice %arg10[%dma_start3A_937] : memref<4x!tpu.dma_semaphore, #tpu.memory_space<semaphore_mem>> -> memref<1x!tpu.dma_semaphore, #tpu.memory_space<semaphore_mem>>
        %dma_start3A_948 = tpu.memref_squeeze %dma_start3A_947 : memref<1x!tpu.dma_semaphore, #tpu.memory_space<semaphore_mem>> -> memref<!tpu.dma_semaphore, #tpu.memory_space<semaphore_mem>>
        %dma_start3A_949 = arith.constant 0 : i32
        %dma_start3A_950 = arith.constant 0 : i32
        %dma_start3A_951 = arith.constant 0 : i32
        %dma_start3A_952 = tpu.memref_slice %arg6[%dma_start3A_936, %dma_start3A_949, %dma_start3A_950, %dma_start3A_951] : memref<4x19x8x128xf32, #tpu.memory_space<vmem>> -> memref<1x19x8x128xf32, #tpu.memory_space<vmem>>
        %dma_start3A_953 = tpu.memref_squeeze %dma_start3A_952 : memref<1x19x8x128xf32, #tpu.memory_space<vmem>> -> memref<19x8x128xf32, #tpu.memory_space<vmem>>
        %dma_start3A_954 = arith.constant 0 : i32
        %dma_start3A_955 = arith.constant 256 : i32
        %dma_start3A_956 = tpu.memref_slice %arg2[%select_n3A_919, %dma_start3A_954, %select_n3A_935, %dma_start3A_955] : memref<8x19x512x512xf32, #tpu.memory_space<hbm>> -> memref<1x19x8x128xf32, #tpu.memory_space<hbm>>
        %dma_start3A_957 = tpu.memref_squeeze %dma_start3A_956 : memref<1x19x8x128xf32, #tpu.memory_space<hbm>> -> memref<19x8x128xf32, #tpu.memory_space<hbm>>
        tpu.enqueue_dma source(%dma_start3A_957 : memref<19x8x128xf32, #tpu.memory_space<hbm>>) target(%dma_start3A_953 : memref<19x8x128xf32, #tpu.memory_space<vmem>>) target_semaphore(%dma_start3A_948 : memref<!tpu.dma_semaphore, #tpu.memory_space<semaphore_mem>>)
      } else {
      }
      %mul3A_809 = arith.constant 8 : i32
      %mul3A_810 = arith.muli %scan3A_375, %mul3A_809 : i32
      %add3A_811 = arith.addi %mul3A_2, %mul3A_810 : i32
      %jit3A_812 = arith.constant 512 : i32
      %div3A_813 = arith.divsi %add3A_811, %jit3A_812 : i32
      %sign3A_814 = arith.constant 0 : i32
      %sign3A_815 = arith.cmpi sgt, %add3A_811, %sign3A_814 : i32
      %sign3A_816 = arith.extui %sign3A_815 : i1 to i32
      %sign3A_817 = arith.constant 0 : i32
      %sign3A_818 = arith.cmpi slt, %add3A_811, %sign3A_817 : i32
      %sign3A_819 = arith.extui %sign3A_818 : i1 to i32
      %sign3A_820 = arith.subi %sign3A_816, %sign3A_819 : i32
      %sign3A_821 = arith.constant 0 : i32
      %sign3A_822 = arith.cmpi sgt, %jit3A_812, %sign3A_821 : i32
      %sign3A_823 = arith.extui %sign3A_822 : i1 to i32
      %sign3A_824 = arith.constant 0 : i32
      %sign3A_825 = arith.cmpi slt, %jit3A_812, %sign3A_824 : i32
      %sign3A_826 = arith.extui %sign3A_825 : i1 to i32
      %sign3A_827 = arith.subi %sign3A_823, %sign3A_826 : i32
      %ne3A_828 = arith.cmpi ne, %sign3A_820, %sign3A_827 : i32
      %rem3A_829 = arith.remsi %add3A_811, %jit3A_812 : i32
      %ne3A_830 = arith.constant 0 : i32
      %ne3A_831 = arith.cmpi ne, %rem3A_829, %ne3A_830 : i32
      %and3A_832 = arith.andi %ne3A_828, %ne3A_831 : i1
      %sub3A_833 = arith.constant 1 : i32
      %sub3A_834 = arith.subi %div3A_813, %sub3A_833 : i32
      %select_n3A_835 = arith.select %and3A_832, %sub3A_834, %div3A_813 : i32
      %jit3A_836 = arith.constant 512 : i32
      %eq3A_837 = arith.constant 0 : i32
      %eq3A_838 = arith.cmpi eq, %jit3A_836, %eq3A_837 : i32
      %jit3A_839 = arith.constant 1 : i32
      %select_n3A_840 = arith.select %eq3A_838, %jit3A_839, %jit3A_836 : i32
      %rem3A_841 = arith.remsi %add3A_811, %select_n3A_840 : i32
      %ne3A_842 = arith.constant 0 : i32
      %ne3A_843 = arith.cmpi ne, %rem3A_841, %ne3A_842 : i32
      %lt3A_844 = arith.constant 0 : i32
      %lt3A_845 = arith.cmpi slt, %rem3A_841, %lt3A_844 : i32
      %lt3A_846 = arith.constant 0 : i32
      %lt3A_847 = arith.cmpi slt, %select_n3A_840, %lt3A_846 : i32
      %ne3A_848 = arith.xori %lt3A_845, %lt3A_847 : i1
      %and3A_849 = arith.andi %ne3A_848, %ne3A_843 : i1
      %add3A_850 = arith.addi %rem3A_841, %select_n3A_840 : i32
      %select_n3A_851 = arith.select %and3A_849, %add3A_850, %rem3A_841 : i32
      %dma_wait3A_852 = arith.constant 3 : i32
      %dma_wait3A_853 = arith.constant 3 : i32
      %dma_wait3A_854 = arith.constant 0 : i32
      %dma_wait3A_855 = arith.constant 0 : i32
      %dma_wait3A_856 = arith.constant 0 : i32
      %dma_wait3A_857 = tpu.memref_slice %arg6[%dma_wait3A_852, %dma_wait3A_854, %dma_wait3A_855, %dma_wait3A_856] : memref<4x19x8x128xf32, #tpu.memory_space<vmem>> -> memref<1x19x8x128xf32, #tpu.memory_space<vmem>>
      %dma_wait3A_858 = tpu.memref_squeeze %dma_wait3A_857 : memref<1x19x8x128xf32, #tpu.memory_space<vmem>> -> memref<19x8x128xf32, #tpu.memory_space<vmem>>
      %dma_wait3A_859 = arith.constant 0 : i32
      %dma_wait3A_860 = arith.constant 384 : i32
      %dma_wait3A_861 = tpu.memref_slice %arg2[%select_n3A_835, %dma_wait3A_859, %select_n3A_851, %dma_wait3A_860] : memref<8x19x512x512xf32, #tpu.memory_space<hbm>> -> memref<1x19x8x128xf32, #tpu.memory_space<hbm>>
      %dma_wait3A_862 = tpu.memref_squeeze %dma_wait3A_861 : memref<1x19x8x128xf32, #tpu.memory_space<hbm>> -> memref<19x8x128xf32, #tpu.memory_space<hbm>>
      %dma_wait3A_863 = tpu.memref_slice %arg10[%dma_wait3A_853] : memref<4x!tpu.dma_semaphore, #tpu.memory_space<semaphore_mem>> -> memref<1x!tpu.dma_semaphore, #tpu.memory_space<semaphore_mem>>
      %dma_wait3A_864 = tpu.memref_squeeze %dma_wait3A_863 : memref<1x!tpu.dma_semaphore, #tpu.memory_space<semaphore_mem>> -> memref<!tpu.dma_semaphore, #tpu.memory_space<semaphore_mem>>
      %dma_wait3A_865 = arith.constant 0 : i32
      %dma_wait3A_866 = arith.constant 0 : i32
      %dma_wait3A_867 = arith.constant 0 : i32
      %dma_wait3A_868 = tpu.memref_slice %arg6[%dma_wait3A_852, %dma_wait3A_865, %dma_wait3A_866, %dma_wait3A_867] : memref<4x19x8x128xf32, #tpu.memory_space<vmem>> -> memref<1x19x8x128xf32, #tpu.memory_space<vmem>>
      %dma_wait3A_869 = tpu.memref_squeeze %dma_wait3A_868 : memref<1x19x8x128xf32, #tpu.memory_space<vmem>> -> memref<19x8x128xf32, #tpu.memory_space<vmem>>
      %dma_wait3A_870 = arith.constant 0 : i32
      %dma_wait3A_871 = arith.constant 384 : i32
      %dma_wait3A_872 = tpu.memref_slice %arg2[%select_n3A_835, %dma_wait3A_870, %select_n3A_851, %dma_wait3A_871] : memref<8x19x512x512xf32, #tpu.memory_space<hbm>> -> memref<1x19x8x128xf32, #tpu.memory_space<hbm>>
      %dma_wait3A_873 = tpu.memref_squeeze %dma_wait3A_872 : memref<1x19x8x128xf32, #tpu.memory_space<hbm>> -> memref<19x8x128xf32, #tpu.memory_space<hbm>>
      tpu.wait_dma2 semaphore(%dma_wait3A_864 : memref<!tpu.dma_semaphore, #tpu.memory_space<semaphore_mem>>) src(%dma_wait3A_873 : memref<19x8x128xf32, #tpu.memory_space<hbm>>) dst(%dma_wait3A_869 : memref<19x8x128xf32, #tpu.memory_space<vmem>>)
      %broadcast_in_dim3A_874 = arith.constant 0.000000e+00 : f32
      %broadcast_in_dim3A_875 = vector.broadcast %broadcast_in_dim3A_874 : f32 to vector<16xf32>
      %scan3A_876 = arith.constant 3 : i32
      %scan3A_877 = arith.constant 0 : i32
      %scan3A_878 = arith.constant 64 : i32
      %scan3A_879 = arith.addi %scan3A_877, %scan3A_878 : i32
      %scan3A_880 = arith.constant 1 : i32
      %scan3A_881 = scf.for %scan3A_891 = %scan3A_877 to %scan3A_879 step %scan3A_880 iter_args(%scan3A_892 = %broadcast_in_dim3A_875) -> (vector<16xf32>)  : i32 {
        %shift_right_arithmetic3A = arith.constant 3 : i32
        %shift_right_arithmetic3A_893 = arith.shrsi %scan3A_891, %shift_right_arithmetic3A : i32
        %and3A_894 = arith.constant 7 : i32
        %and3A_895 = arith.andi %scan3A_891, %and3A_894 : i32
        %jit3A_896 = arith.constant 2 : i32
        %eq3A_897 = arith.constant 0 : i32
        %eq3A_898 = arith.cmpi eq, %jit3A_896, %eq3A_897 : i32
        %jit3A_899 = arith.constant 1 : i32
        %select_n3A_900 = arith.select %eq3A_898, %jit3A_899, %jit3A_896 : i32
        %rem3A_901 = arith.remsi %scan3A_375, %select_n3A_900 : i32
        %ne3A_902 = arith.constant 0 : i32
        %ne3A_903 = arith.cmpi ne, %rem3A_901, %ne3A_902 : i32
        %lt3A_904 = arith.constant 0 : i32
        %lt3A_905 = arith.cmpi slt, %rem3A_901, %lt3A_904 : i32
        %lt3A_906 = arith.constant 0 : i32
        %lt3A_907 = arith.cmpi slt, %select_n3A_900, %lt3A_906 : i32
        %ne3A_908 = arith.xori %lt3A_905, %lt3A_907 : i1
        %and3A_909 = arith.andi %ne3A_908, %ne3A_903 : i1
        %add3A_910 = arith.addi %rem3A_901, %select_n3A_900 : i32
        %select_n3A_911 = arith.select %and3A_909, %add3A_910, %rem3A_901 : i32
        %mul3A_912 = arith.constant 16 : i32
        %mul3A_913 = arith.muli %and3A_895, %mul3A_912 : i32
        %add3A_914 = arith.constant 384 : i32
        %add3A_915 = arith.addi %add3A_914, %mul3A_913 : i32
        %get3A = arith.index_cast %select_n3A_911 : i32 to index
        %get3A_916 = arith.index_cast %shift_right_arithmetic3A_893 : i32 to index
        %get3A_917 = arith.index_cast %add3A_915 : i32 to index
        %get3A_918 = tpu.vector_load %arg7[%get3A, %get3A_916, %get3A_917] {strides = array<i32>} : memref<2x8x512xi32, #tpu.memory_space<vmem>>, vector<16xi32>,
        %jit3A_919 = arith.constant 2 : i32
        %eq3A_920 = arith.constant 0 : i32
        %eq3A_921 = arith.cmpi eq, %jit3A_919, %eq3A_920 : i32
        %jit3A_922 = arith.constant 1 : i32
        %select_n3A_923 = arith.select %eq3A_921, %jit3A_922, %jit3A_919 : i32
        %rem3A_924 = arith.remsi %scan3A_375, %select_n3A_923 : i32
        %ne3A_925 = arith.constant 0 : i32
        %ne3A_926 = arith.cmpi ne, %rem3A_924, %ne3A_925 : i32
        %lt3A_927 = arith.constant 0 : i32
        %lt3A_928 = arith.cmpi slt, %rem3A_924, %lt3A_927 : i32
        %lt3A_929 = arith.constant 0 : i32
        %lt3A_930 = arith.cmpi slt, %select_n3A_923, %lt3A_929 : i32
        %ne3A_931 = arith.xori %lt3A_928, %lt3A_930 : i1
        %and3A_932 = arith.andi %ne3A_931, %ne3A_926 : i1
        %add3A_933 = arith.addi %rem3A_924, %select_n3A_923 : i32
        %select_n3A_934 = arith.select %and3A_932, %add3A_933, %rem3A_924 : i32
        %mul3A_935 = arith.constant 16 : i32
        %mul3A_936 = arith.muli %and3A_895, %mul3A_935 : i32
        %add3A_937 = arith.constant 384 : i32
        %add3A_938 = arith.addi %add3A_937, %mul3A_936 : i32
        %get3A_939 = arith.index_cast %select_n3A_934 : i32 to index
        %get3A_940 = arith.index_cast %shift_right_arithmetic3A_893 : i32 to index
        %get3A_941 = arith.index_cast %add3A_938 : i32 to index
        %get3A_942 = tpu.vector_load %arg8[%get3A_939, %get3A_940, %get3A_941] {strides = array<i32>} : memref<2x8x512xi32, #tpu.memory_space<vmem>>, vector<16xi32>,
        %broadcast_in_dim3A_943 = vector.broadcast %shift_right_arithmetic3A_893 : i32 to vector<16xi32>
        %mul3A_944 = arith.constant 16 : i32
        %mul3A_945 = arith.muli %and3A_895, %mul3A_944 : i32
        %add3A_946 = vector.broadcast %mul3A_945 : i32 to vector<16xi32>
        %add3A_947 = arith.addi %add3A_946, %iota3A : vector<16xi32>
        %gather3A = arith.constant 0 : i32
        %gather3A_948 = arith.constant 0 : i32
        %gather3A_949 = arith.constant 0 : i32
        %gather3A_950 = tpu.memref_slice %arg6[%scan3A_876, %gather3A, %gather3A_948, %gather3A_949] : memref<4x19x8x128xf32, #tpu.memory_space<vmem>> -> memref<1x19x8x128xf32, #tpu.memory_space<vmem>>
        %gather3A_951 = tpu.memref_squeeze %gather3A_950 : memref<1x19x8x128xf32, #tpu.memory_space<vmem>> -> memref<19x8x128xf32, #tpu.memory_space<vmem>>
        %gather3A_952 = tpu.vector_load_idx %gather3A_951[%get3A_918, %broadcast_in_dim3A_943, %add3A_947] : memref<19x8x128xf32, #tpu.memory_space<vmem>>[vector<16xi32>, vector<16xi32>, vector<16xi32>], vector<16xf32>,
        %gt3A = arith.constant 0 : i32
        %gt3A_953 = vector.broadcast %gt3A : i32 to vector<16xi32>
        %gt3A_954 = arith.cmpi sgt, %get3A_942, %gt3A_953 : vector<16xi32>
        %broadcast_in_dim3A_955 = arith.constant 0.000000e+00 : f32
        %broadcast_in_dim3A_956 = vector.broadcast %broadcast_in_dim3A_955 : f32 to vector<16xf32>
        %select_n3A_957 = arith.select %gt3A_954, %gather3A_952, %broadcast_in_dim3A_956 : vector<16xi1>, vector<16xf32>
        %add3A_958 = arith.addf %scan3A_892, %select_n3A_957 : vector<16xf32>
        scf.yield %add3A_958 : vector<16xf32>
      }
      %scan3A_882 = arith.constant 64 : i32
      %add3A_883 = arith.addf %add3A_801, %scan3A_881 : vector<16xf32>
      %add3A_884 = arith.constant 1 : i32
      %add3A_885 = arith.addi %scan3A_375, %add3A_884 : i32
      %lt3A_886 = arith.constant 8 : i32
      %lt3A_887 = arith.cmpi slt, %add3A_885, %lt3A_886 : i32
      %convert_element_type3A_888 = arith.extui %lt3A_887 : i1 to i32
      %cond3A_889 = arith.constant 0 : i32
      %cond3A_890 = arith.cmpi ne, %convert_element_type3A_888, %cond3A_889 : i32
      scf.if %cond3A_890 {
        %add3A_891 = arith.constant 1 : i32
        %add3A_892 = arith.addi %scan3A_375, %add3A_891 : i32
        %mul3A_893 = arith.constant 8 : i32
        %mul3A_894 = arith.muli %add3A_892, %mul3A_893 : i32
        %add3A_895 = arith.addi %mul3A_2, %mul3A_894 : i32
        %jit3A_896 = arith.constant 512 : i32
        %div3A_897 = arith.divsi %add3A_895, %jit3A_896 : i32
        %sign3A_898 = arith.constant 0 : i32
        %sign3A_899 = arith.cmpi sgt, %add3A_895, %sign3A_898 : i32
        %sign3A_900 = arith.extui %sign3A_899 : i1 to i32
        %sign3A_901 = arith.constant 0 : i32
        %sign3A_902 = arith.cmpi slt, %add3A_895, %sign3A_901 : i32
        %sign3A_903 = arith.extui %sign3A_902 : i1 to i32
        %sign3A_904 = arith.subi %sign3A_900, %sign3A_903 : i32
        %sign3A_905 = arith.constant 0 : i32
        %sign3A_906 = arith.cmpi sgt, %jit3A_896, %sign3A_905 : i32
        %sign3A_907 = arith.extui %sign3A_906 : i1 to i32
        %sign3A_908 = arith.constant 0 : i32
        %sign3A_909 = arith.cmpi slt, %jit3A_896, %sign3A_908 : i32
        %sign3A_910 = arith.extui %sign3A_909 : i1 to i32
        %sign3A_911 = arith.subi %sign3A_907, %sign3A_910 : i32
        %ne3A_912 = arith.cmpi ne, %sign3A_904, %sign3A_911 : i32
        %rem3A_913 = arith.remsi %add3A_895, %jit3A_896 : i32
        %ne3A_914 = arith.constant 0 : i32
        %ne3A_915 = arith.cmpi ne, %rem3A_913, %ne3A_914 : i32
        %and3A_916 = arith.andi %ne3A_912, %ne3A_915 : i1
        %sub3A_917 = arith.constant 1 : i32
        %sub3A_918 = arith.subi %div3A_897, %sub3A_917 : i32
        %select_n3A_919 = arith.select %and3A_916, %sub3A_918, %div3A_897 : i32
        %jit3A_920 = arith.constant 512 : i32
        %eq3A_921 = arith.constant 0 : i32
        %eq3A_922 = arith.cmpi eq, %jit3A_920, %eq3A_921 : i32
        %jit3A_923 = arith.constant 1 : i32
        %select_n3A_924 = arith.select %eq3A_922, %jit3A_923, %jit3A_920 : i32
        %rem3A_925 = arith.remsi %add3A_895, %select_n3A_924 : i32
        %ne3A_926 = arith.constant 0 : i32
        %ne3A_927 = arith.cmpi ne, %rem3A_925, %ne3A_926 : i32
        %lt3A_928 = arith.constant 0 : i32
        %lt3A_929 = arith.cmpi slt, %rem3A_925, %lt3A_928 : i32
        %lt3A_930 = arith.constant 0 : i32
        %lt3A_931 = arith.cmpi slt, %select_n3A_924, %lt3A_930 : i32
        %ne3A_932 = arith.xori %lt3A_929, %lt3A_931 : i1
        %and3A_933 = arith.andi %ne3A_932, %ne3A_927 : i1
        %add3A_934 = arith.addi %rem3A_925, %select_n3A_924 : i32
        %select_n3A_935 = arith.select %and3A_933, %add3A_934, %rem3A_925 : i32
        %dma_start3A_936 = arith.constant 3 : i32
        %dma_start3A_937 = arith.constant 3 : i32
        %dma_start3A_938 = arith.constant 0 : i32
        %dma_start3A_939 = arith.constant 0 : i32
        %dma_start3A_940 = arith.constant 0 : i32
        %dma_start3A_941 = tpu.memref_slice %arg6[%dma_start3A_936, %dma_start3A_938, %dma_start3A_939, %dma_start3A_940] : memref<4x19x8x128xf32, #tpu.memory_space<vmem>> -> memref<1x19x8x128xf32, #tpu.memory_space<vmem>>
        %dma_start3A_942 = tpu.memref_squeeze %dma_start3A_941 : memref<1x19x8x128xf32, #tpu.memory_space<vmem>> -> memref<19x8x128xf32, #tpu.memory_space<vmem>>
        %dma_start3A_943 = arith.constant 0 : i32
        %dma_start3A_944 = arith.constant 384 : i32
        %dma_start3A_945 = tpu.memref_slice %arg2[%select_n3A_919, %dma_start3A_943, %select_n3A_935, %dma_start3A_944] : memref<8x19x512x512xf32, #tpu.memory_space<hbm>> -> memref<1x19x8x128xf32, #tpu.memory_space<hbm>>
        %dma_start3A_946 = tpu.memref_squeeze %dma_start3A_945 : memref<1x19x8x128xf32, #tpu.memory_space<hbm>> -> memref<19x8x128xf32, #tpu.memory_space<hbm>>
        %dma_start3A_947 = tpu.memref_slice %arg10[%dma_start3A_937] : memref<4x!tpu.dma_semaphore, #tpu.memory_space<semaphore_mem>> -> memref<1x!tpu.dma_semaphore, #tpu.memory_space<semaphore_mem>>
        %dma_start3A_948 = tpu.memref_squeeze %dma_start3A_947 : memref<1x!tpu.dma_semaphore, #tpu.memory_space<semaphore_mem>> -> memref<!tpu.dma_semaphore, #tpu.memory_space<semaphore_mem>>
        %dma_start3A_949 = arith.constant 0 : i32
        %dma_start3A_950 = arith.constant 0 : i32
        %dma_start3A_951 = arith.constant 0 : i32
        %dma_start3A_952 = tpu.memref_slice %arg6[%dma_start3A_936, %dma_start3A_949, %dma_start3A_950, %dma_start3A_951] : memref<4x19x8x128xf32, #tpu.memory_space<vmem>> -> memref<1x19x8x128xf32, #tpu.memory_space<vmem>>
        %dma_start3A_953 = tpu.memref_squeeze %dma_start3A_952 : memref<1x19x8x128xf32, #tpu.memory_space<vmem>> -> memref<19x8x128xf32, #tpu.memory_space<vmem>>
        %dma_start3A_954 = arith.constant 0 : i32
        %dma_start3A_955 = arith.constant 384 : i32
        %dma_start3A_956 = tpu.memref_slice %arg2[%select_n3A_919, %dma_start3A_954, %select_n3A_935, %dma_start3A_955] : memref<8x19x512x512xf32, #tpu.memory_space<hbm>> -> memref<1x19x8x128xf32, #tpu.memory_space<hbm>>
        %dma_start3A_957 = tpu.memref_squeeze %dma_start3A_956 : memref<1x19x8x128xf32, #tpu.memory_space<hbm>> -> memref<19x8x128xf32, #tpu.memory_space<hbm>>
        tpu.enqueue_dma source(%dma_start3A_957 : memref<19x8x128xf32, #tpu.memory_space<hbm>>) target(%dma_start3A_953 : memref<19x8x128xf32, #tpu.memory_space<vmem>>) target_semaphore(%dma_start3A_948 : memref<!tpu.dma_semaphore, #tpu.memory_space<semaphore_mem>>)
      } else {
      }
      scf.yield %add3A_883 : vector<16xf32>
    }
    %scan3A_373 = arith.constant 8 : i32
    %swap3A = arith.constant 0 : index
    %swap3A_374 = tpu.vector_load %arg9[%swap3A] {strides = array<i32>} : memref<16xf32, #tpu.memory_space<vmem>>, vector<16xf32>,
    tpu.vector_store %arg9[%swap3A], %scan3A_372 {strides = array<i32>} : memref<16xf32, #tpu.memory_space<vmem>>, vector<16xf32>,
    "tpu.region"() ({
      %run_scoped3A = tpu.sem_alloc : memref<!tpu.dma_semaphore, #tpu.memory_space<semaphore_mem>>
      %dma_start3A_375 = arith.constant 0 : i32
      %dma_start3A_376 = tpu.memref_slice %arg5[%add3A, %dma_start3A_375] : memref<32x16xf32, #tpu.memory_space<hbm>> -> memref<1x16xf32, #tpu.memory_space<hbm>>
      %dma_start3A_377 = tpu.memref_squeeze %dma_start3A_376 : memref<1x16xf32, #tpu.memory_space<hbm>> -> memref<16xf32, #tpu.memory_space<hbm>>
      %dma_start3A_378 = arith.constant 0 : i32
      %dma_start3A_379 = tpu.memref_slice %arg5[%add3A, %dma_start3A_378] : memref<32x16xf32, #tpu.memory_space<hbm>> -> memref<1x16xf32, #tpu.memory_space<hbm>>
      %dma_start3A_380 = tpu.memref_squeeze %dma_start3A_379 : memref<1x16xf32, #tpu.memory_space<hbm>> -> memref<16xf32, #tpu.memory_space<hbm>>
      tpu.enqueue_dma source(%arg9 : memref<16xf32, #tpu.memory_space<vmem>>) target(%dma_start3A_380 : memref<16xf32, #tpu.memory_space<hbm>>) target_semaphore(%run_scoped3A : memref<!tpu.dma_semaphore, #tpu.memory_space<semaphore_mem>>)
      %dma_wait3A = arith.constant 0 : i32
      %dma_wait3A_381 = tpu.memref_slice %arg5[%add3A, %dma_wait3A] : memref<32x16xf32, #tpu.memory_space<hbm>> -> memref<1x16xf32, #tpu.memory_space<hbm>>
      %dma_wait3A_382 = tpu.memref_squeeze %dma_wait3A_381 : memref<1x16xf32, #tpu.memory_space<hbm>> -> memref<16xf32, #tpu.memory_space<hbm>>
      %dma_wait3A_383 = arith.constant 0 : i32
      %dma_wait3A_384 = tpu.memref_slice %arg5[%add3A, %dma_wait3A_383] : memref<32x16xf32, #tpu.memory_space<hbm>> -> memref<1x16xf32, #tpu.memory_space<hbm>>
      %dma_wait3A_385 = tpu.memref_squeeze %dma_wait3A_384 : memref<1x16xf32, #tpu.memory_space<hbm>> -> memref<16xf32, #tpu.memory_space<hbm>>
      tpu.wait_dma2 semaphore(%run_scoped3A : memref<!tpu.dma_semaphore, #tpu.memory_space<semaphore_mem>>) src(%arg9 : memref<16xf32, #tpu.memory_space<vmem>>) dst(%dma_wait3A_385 : memref<16xf32, #tpu.memory_space<hbm>>)
      tpu.yield
    }) : () -> ()
    return
  }
}

module attributes {stable_mosaic.version = 14 : i64} {
  func.func @_tc_body(%arg0: i32, %arg1: i32, %arg2: memref<1x19x64x512xf32, #tpu.memory_space<vmem>>, %arg3: memref<1x64x512xi32, #tpu.memory_space<vmem>>, %arg4: memref<1x64x512xi32, #tpu.memory_space<vmem>>, %arg5: memref<8x128xf32, #tpu.memory_space<vmem>>) attributes {dimension_semantics = [#tpu.dimension_semantics<arbitrary>, #tpu.dimension_semantics<arbitrary>], iteration_bounds = array<i64: 4, 8>, scalar_prefetch = 0 : i64, scratch_operands = 0 : i64, tpu.core_type = #tpu.core_type<tc>, window_params = [{transform_indices = @transform_0, window_bounds = array<i64: 1, 19, 64, 512>}, {transform_indices = @transform_1, window_bounds = array<i64: 1, 64, 512>}, {transform_indices = @transform_2, window_bounds = array<i64: 1, 64, 512>}, {pipeline_mode = #tpu.pipeline_mode<synchronous>, transform_indices = @transform_3, window_bounds = array<i64: 8, 128>}]} {
    %eq3A = arith.constant 0 : i32
    %eq3A_0 = arith.cmpi eq, %arg0, %eq3A : i32
    %eq3A_1 = arith.constant 0 : i32
    %eq3A_2 = arith.cmpi eq, %arg1, %eq3A_1 : i32
    %and3A = arith.andi %eq3A_0, %eq3A_2 : i1
    %convert_element_type3A = arith.extui %and3A : i1 to i32
    %cond3A = arith.constant 0 : i32
    %cond3A_3 = arith.cmpi ne, %convert_element_type3A, %cond3A : i32
    scf.if %cond3A_3 {
      %broadcast_in_dim3A_270 = arith.constant 0.000000e+00 : f32
      %broadcast_in_dim3A_271 = vector.broadcast %broadcast_in_dim3A_270 : f32 to vector<8x128xf32>
      %swap3A_272 = arith.constant 0 : index
      %swap3A_273 = arith.constant 0 : index
      %swap3A_274 = vector.load %arg5[%swap3A_272, %swap3A_273] : memref<8x128xf32, #tpu.memory_space<vmem>>, vector<8x128xf32>
      tpu.vector_store %arg5[%swap3A_272, %swap3A_273], %broadcast_in_dim3A_271 {strides = array<i32>} : memref<8x128xf32, #tpu.memory_space<vmem>>, vector<8x128xf32>,
    } else {
    }
    %get3A = arith.constant 0 : index
    %get3A_4 = arith.constant 0 : index
    %get3A_5 = arith.constant 0 : index
    %get3A_6 = vector.load %arg3[%get3A, %get3A_4, %get3A_5] : memref<1x64x512xi32, #tpu.memory_space<vmem>>, vector<1x64x512xi32>
    %get3A_7 = vector.shape_cast %get3A_6 : vector<1x64x512xi32> to vector<64x512xi32>
    %get3A_8 = arith.constant 0 : index
    %get3A_9 = arith.constant 0 : index
    %get3A_10 = arith.constant 0 : index
    %get3A_11 = vector.load %arg4[%get3A_8, %get3A_9, %get3A_10] : memref<1x64x512xi32, #tpu.memory_space<vmem>>, vector<1x64x512xi32>
    %get3A_12 = vector.shape_cast %get3A_11 : vector<1x64x512xi32> to vector<64x512xi32>
    %broadcast_in_dim3A = arith.constant 0.000000e+00 : f32
    %broadcast_in_dim3A_13 = vector.broadcast %broadcast_in_dim3A : f32 to vector<64x512xf32>
    %eq3A_14 = arith.constant 0 : i32
    %eq3A_15 = vector.broadcast %eq3A_14 : i32 to vector<64x512xi32>
    %eq3A_16 = arith.cmpi eq, %get3A_7, %eq3A_15 : vector<64x512xi32>
    %get3A_17 = arith.constant 0 : index
    %get3A_18 = arith.constant 0 : index
    %get3A_19 = arith.constant 0 : index
    %get3A_20 = arith.constant 0 : index
    %get3A_21 = vector.load %arg2[%get3A_17, %get3A_18, %get3A_19, %get3A_20] : memref<1x19x64x512xf32, #tpu.memory_space<vmem>>, vector<1x1x64x512xf32>
    %get3A_22 = vector.shape_cast %get3A_21 : vector<1x1x64x512xf32> to vector<64x512xf32>
    %jit3A = arith.constant 0.000000e+00 : f32
    %broadcast_in_dim3A_23 = vector.broadcast %jit3A : f32 to vector<64x512xf32>
    %select_n3A = arith.select %eq3A_16, %get3A_22, %broadcast_in_dim3A_23 : vector<64x512xi1>, vector<64x512xf32>
    %add3A = arith.addf %broadcast_in_dim3A_13, %select_n3A : vector<64x512xf32>
    %eq3A_24 = arith.constant 1 : i32
    %eq3A_25 = vector.broadcast %eq3A_24 : i32 to vector<64x512xi32>
    %eq3A_26 = arith.cmpi eq, %get3A_7, %eq3A_25 : vector<64x512xi32>
    %get3A_27 = arith.constant 0 : index
    %get3A_28 = arith.constant 1 : index
    %get3A_29 = arith.constant 0 : index
    %get3A_30 = arith.constant 0 : index
    %get3A_31 = vector.load %arg2[%get3A_27, %get3A_28, %get3A_29, %get3A_30] : memref<1x19x64x512xf32, #tpu.memory_space<vmem>>, vector<1x1x64x512xf32>
    %get3A_32 = vector.shape_cast %get3A_31 : vector<1x1x64x512xf32> to vector<64x512xf32>
    %jit3A_33 = arith.constant 0.000000e+00 : f32
    %broadcast_in_dim3A_34 = vector.broadcast %jit3A_33 : f32 to vector<64x512xf32>
    %select_n3A_35 = arith.select %eq3A_26, %get3A_32, %broadcast_in_dim3A_34 : vector<64x512xi1>, vector<64x512xf32>
    %add3A_36 = arith.addf %add3A, %select_n3A_35 : vector<64x512xf32>
    %eq3A_37 = arith.constant 2 : i32
    %eq3A_38 = vector.broadcast %eq3A_37 : i32 to vector<64x512xi32>
    %eq3A_39 = arith.cmpi eq, %get3A_7, %eq3A_38 : vector<64x512xi32>
    %get3A_40 = arith.constant 0 : index
    %get3A_41 = arith.constant 2 : index
    %get3A_42 = arith.constant 0 : index
    %get3A_43 = arith.constant 0 : index
    %get3A_44 = vector.load %arg2[%get3A_40, %get3A_41, %get3A_42, %get3A_43] : memref<1x19x64x512xf32, #tpu.memory_space<vmem>>, vector<1x1x64x512xf32>
    %get3A_45 = vector.shape_cast %get3A_44 : vector<1x1x64x512xf32> to vector<64x512xf32>
    %jit3A_46 = arith.constant 0.000000e+00 : f32
    %broadcast_in_dim3A_47 = vector.broadcast %jit3A_46 : f32 to vector<64x512xf32>
    %select_n3A_48 = arith.select %eq3A_39, %get3A_45, %broadcast_in_dim3A_47 : vector<64x512xi1>, vector<64x512xf32>
    %add3A_49 = arith.addf %add3A_36, %select_n3A_48 : vector<64x512xf32>
    %eq3A_50 = arith.constant 3 : i32
    %eq3A_51 = vector.broadcast %eq3A_50 : i32 to vector<64x512xi32>
    %eq3A_52 = arith.cmpi eq, %get3A_7, %eq3A_51 : vector<64x512xi32>
    %get3A_53 = arith.constant 0 : index
    %get3A_54 = arith.constant 3 : index
    %get3A_55 = arith.constant 0 : index
    %get3A_56 = arith.constant 0 : index
    %get3A_57 = vector.load %arg2[%get3A_53, %get3A_54, %get3A_55, %get3A_56] : memref<1x19x64x512xf32, #tpu.memory_space<vmem>>, vector<1x1x64x512xf32>
    %get3A_58 = vector.shape_cast %get3A_57 : vector<1x1x64x512xf32> to vector<64x512xf32>
    %jit3A_59 = arith.constant 0.000000e+00 : f32
    %broadcast_in_dim3A_60 = vector.broadcast %jit3A_59 : f32 to vector<64x512xf32>
    %select_n3A_61 = arith.select %eq3A_52, %get3A_58, %broadcast_in_dim3A_60 : vector<64x512xi1>, vector<64x512xf32>
    %add3A_62 = arith.addf %add3A_49, %select_n3A_61 : vector<64x512xf32>
    %eq3A_63 = arith.constant 4 : i32
    %eq3A_64 = vector.broadcast %eq3A_63 : i32 to vector<64x512xi32>
    %eq3A_65 = arith.cmpi eq, %get3A_7, %eq3A_64 : vector<64x512xi32>
    %get3A_66 = arith.constant 0 : index
    %get3A_67 = arith.constant 4 : index
    %get3A_68 = arith.constant 0 : index
    %get3A_69 = arith.constant 0 : index
    %get3A_70 = vector.load %arg2[%get3A_66, %get3A_67, %get3A_68, %get3A_69] : memref<1x19x64x512xf32, #tpu.memory_space<vmem>>, vector<1x1x64x512xf32>
    %get3A_71 = vector.shape_cast %get3A_70 : vector<1x1x64x512xf32> to vector<64x512xf32>
    %jit3A_72 = arith.constant 0.000000e+00 : f32
    %broadcast_in_dim3A_73 = vector.broadcast %jit3A_72 : f32 to vector<64x512xf32>
    %select_n3A_74 = arith.select %eq3A_65, %get3A_71, %broadcast_in_dim3A_73 : vector<64x512xi1>, vector<64x512xf32>
    %add3A_75 = arith.addf %add3A_62, %select_n3A_74 : vector<64x512xf32>
    %eq3A_76 = arith.constant 5 : i32
    %eq3A_77 = vector.broadcast %eq3A_76 : i32 to vector<64x512xi32>
    %eq3A_78 = arith.cmpi eq, %get3A_7, %eq3A_77 : vector<64x512xi32>
    %get3A_79 = arith.constant 0 : index
    %get3A_80 = arith.constant 5 : index
    %get3A_81 = arith.constant 0 : index
    %get3A_82 = arith.constant 0 : index
    %get3A_83 = vector.load %arg2[%get3A_79, %get3A_80, %get3A_81, %get3A_82] : memref<1x19x64x512xf32, #tpu.memory_space<vmem>>, vector<1x1x64x512xf32>
    %get3A_84 = vector.shape_cast %get3A_83 : vector<1x1x64x512xf32> to vector<64x512xf32>
    %jit3A_85 = arith.constant 0.000000e+00 : f32
    %broadcast_in_dim3A_86 = vector.broadcast %jit3A_85 : f32 to vector<64x512xf32>
    %select_n3A_87 = arith.select %eq3A_78, %get3A_84, %broadcast_in_dim3A_86 : vector<64x512xi1>, vector<64x512xf32>
    %add3A_88 = arith.addf %add3A_75, %select_n3A_87 : vector<64x512xf32>
    %eq3A_89 = arith.constant 6 : i32
    %eq3A_90 = vector.broadcast %eq3A_89 : i32 to vector<64x512xi32>
    %eq3A_91 = arith.cmpi eq, %get3A_7, %eq3A_90 : vector<64x512xi32>
    %get3A_92 = arith.constant 0 : index
    %get3A_93 = arith.constant 6 : index
    %get3A_94 = arith.constant 0 : index
    %get3A_95 = arith.constant 0 : index
    %get3A_96 = vector.load %arg2[%get3A_92, %get3A_93, %get3A_94, %get3A_95] : memref<1x19x64x512xf32, #tpu.memory_space<vmem>>, vector<1x1x64x512xf32>
    %get3A_97 = vector.shape_cast %get3A_96 : vector<1x1x64x512xf32> to vector<64x512xf32>
    %jit3A_98 = arith.constant 0.000000e+00 : f32
    %broadcast_in_dim3A_99 = vector.broadcast %jit3A_98 : f32 to vector<64x512xf32>
    %select_n3A_100 = arith.select %eq3A_91, %get3A_97, %broadcast_in_dim3A_99 : vector<64x512xi1>, vector<64x512xf32>
    %add3A_101 = arith.addf %add3A_88, %select_n3A_100 : vector<64x512xf32>
    %eq3A_102 = arith.constant 7 : i32
    %eq3A_103 = vector.broadcast %eq3A_102 : i32 to vector<64x512xi32>
    %eq3A_104 = arith.cmpi eq, %get3A_7, %eq3A_103 : vector<64x512xi32>
    %get3A_105 = arith.constant 0 : index
    %get3A_106 = arith.constant 7 : index
    %get3A_107 = arith.constant 0 : index
    %get3A_108 = arith.constant 0 : index
    %get3A_109 = vector.load %arg2[%get3A_105, %get3A_106, %get3A_107, %get3A_108] : memref<1x19x64x512xf32, #tpu.memory_space<vmem>>, vector<1x1x64x512xf32>
    %get3A_110 = vector.shape_cast %get3A_109 : vector<1x1x64x512xf32> to vector<64x512xf32>
    %jit3A_111 = arith.constant 0.000000e+00 : f32
    %broadcast_in_dim3A_112 = vector.broadcast %jit3A_111 : f32 to vector<64x512xf32>
    %select_n3A_113 = arith.select %eq3A_104, %get3A_110, %broadcast_in_dim3A_112 : vector<64x512xi1>, vector<64x512xf32>
    %add3A_114 = arith.addf %add3A_101, %select_n3A_113 : vector<64x512xf32>
    %eq3A_115 = arith.constant 8 : i32
    %eq3A_116 = vector.broadcast %eq3A_115 : i32 to vector<64x512xi32>
    %eq3A_117 = arith.cmpi eq, %get3A_7, %eq3A_116 : vector<64x512xi32>
    %get3A_118 = arith.constant 0 : index
    %get3A_119 = arith.constant 8 : index
    %get3A_120 = arith.constant 0 : index
    %get3A_121 = arith.constant 0 : index
    %get3A_122 = vector.load %arg2[%get3A_118, %get3A_119, %get3A_120, %get3A_121] : memref<1x19x64x512xf32, #tpu.memory_space<vmem>>, vector<1x1x64x512xf32>
    %get3A_123 = vector.shape_cast %get3A_122 : vector<1x1x64x512xf32> to vector<64x512xf32>
    %jit3A_124 = arith.constant 0.000000e+00 : f32
    %broadcast_in_dim3A_125 = vector.broadcast %jit3A_124 : f32 to vector<64x512xf32>
    %select_n3A_126 = arith.select %eq3A_117, %get3A_123, %broadcast_in_dim3A_125 : vector<64x512xi1>, vector<64x512xf32>
    %add3A_127 = arith.addf %add3A_114, %select_n3A_126 : vector<64x512xf32>
    %eq3A_128 = arith.constant 9 : i32
    %eq3A_129 = vector.broadcast %eq3A_128 : i32 to vector<64x512xi32>
    %eq3A_130 = arith.cmpi eq, %get3A_7, %eq3A_129 : vector<64x512xi32>
    %get3A_131 = arith.constant 0 : index
    %get3A_132 = arith.constant 9 : index
    %get3A_133 = arith.constant 0 : index
    %get3A_134 = arith.constant 0 : index
    %get3A_135 = vector.load %arg2[%get3A_131, %get3A_132, %get3A_133, %get3A_134] : memref<1x19x64x512xf32, #tpu.memory_space<vmem>>, vector<1x1x64x512xf32>
    %get3A_136 = vector.shape_cast %get3A_135 : vector<1x1x64x512xf32> to vector<64x512xf32>
    %jit3A_137 = arith.constant 0.000000e+00 : f32
    %broadcast_in_dim3A_138 = vector.broadcast %jit3A_137 : f32 to vector<64x512xf32>
    %select_n3A_139 = arith.select %eq3A_130, %get3A_136, %broadcast_in_dim3A_138 : vector<64x512xi1>, vector<64x512xf32>
    %add3A_140 = arith.addf %add3A_127, %select_n3A_139 : vector<64x512xf32>
    %eq3A_141 = arith.constant 10 : i32
    %eq3A_142 = vector.broadcast %eq3A_141 : i32 to vector<64x512xi32>
    %eq3A_143 = arith.cmpi eq, %get3A_7, %eq3A_142 : vector<64x512xi32>
    %get3A_144 = arith.constant 0 : index
    %get3A_145 = arith.constant 10 : index
    %get3A_146 = arith.constant 0 : index
    %get3A_147 = arith.constant 0 : index
    %get3A_148 = vector.load %arg2[%get3A_144, %get3A_145, %get3A_146, %get3A_147] : memref<1x19x64x512xf32, #tpu.memory_space<vmem>>, vector<1x1x64x512xf32>
    %get3A_149 = vector.shape_cast %get3A_148 : vector<1x1x64x512xf32> to vector<64x512xf32>
    %jit3A_150 = arith.constant 0.000000e+00 : f32
    %broadcast_in_dim3A_151 = vector.broadcast %jit3A_150 : f32 to vector<64x512xf32>
    %select_n3A_152 = arith.select %eq3A_143, %get3A_149, %broadcast_in_dim3A_151 : vector<64x512xi1>, vector<64x512xf32>
    %add3A_153 = arith.addf %add3A_140, %select_n3A_152 : vector<64x512xf32>
    %eq3A_154 = arith.constant 11 : i32
    %eq3A_155 = vector.broadcast %eq3A_154 : i32 to vector<64x512xi32>
    %eq3A_156 = arith.cmpi eq, %get3A_7, %eq3A_155 : vector<64x512xi32>
    %get3A_157 = arith.constant 0 : index
    %get3A_158 = arith.constant 11 : index
    %get3A_159 = arith.constant 0 : index
    %get3A_160 = arith.constant 0 : index
    %get3A_161 = vector.load %arg2[%get3A_157, %get3A_158, %get3A_159, %get3A_160] : memref<1x19x64x512xf32, #tpu.memory_space<vmem>>, vector<1x1x64x512xf32>
    %get3A_162 = vector.shape_cast %get3A_161 : vector<1x1x64x512xf32> to vector<64x512xf32>
    %jit3A_163 = arith.constant 0.000000e+00 : f32
    %broadcast_in_dim3A_164 = vector.broadcast %jit3A_163 : f32 to vector<64x512xf32>
    %select_n3A_165 = arith.select %eq3A_156, %get3A_162, %broadcast_in_dim3A_164 : vector<64x512xi1>, vector<64x512xf32>
    %add3A_166 = arith.addf %add3A_153, %select_n3A_165 : vector<64x512xf32>
    %eq3A_167 = arith.constant 12 : i32
    %eq3A_168 = vector.broadcast %eq3A_167 : i32 to vector<64x512xi32>
    %eq3A_169 = arith.cmpi eq, %get3A_7, %eq3A_168 : vector<64x512xi32>
    %get3A_170 = arith.constant 0 : index
    %get3A_171 = arith.constant 12 : index
    %get3A_172 = arith.constant 0 : index
    %get3A_173 = arith.constant 0 : index
    %get3A_174 = vector.load %arg2[%get3A_170, %get3A_171, %get3A_172, %get3A_173] : memref<1x19x64x512xf32, #tpu.memory_space<vmem>>, vector<1x1x64x512xf32>
    %get3A_175 = vector.shape_cast %get3A_174 : vector<1x1x64x512xf32> to vector<64x512xf32>
    %jit3A_176 = arith.constant 0.000000e+00 : f32
    %broadcast_in_dim3A_177 = vector.broadcast %jit3A_176 : f32 to vector<64x512xf32>
    %select_n3A_178 = arith.select %eq3A_169, %get3A_175, %broadcast_in_dim3A_177 : vector<64x512xi1>, vector<64x512xf32>
    %add3A_179 = arith.addf %add3A_166, %select_n3A_178 : vector<64x512xf32>
    %eq3A_180 = arith.constant 13 : i32
    %eq3A_181 = vector.broadcast %eq3A_180 : i32 to vector<64x512xi32>
    %eq3A_182 = arith.cmpi eq, %get3A_7, %eq3A_181 : vector<64x512xi32>
    %get3A_183 = arith.constant 0 : index
    %get3A_184 = arith.constant 13 : index
    %get3A_185 = arith.constant 0 : index
    %get3A_186 = arith.constant 0 : index
    %get3A_187 = vector.load %arg2[%get3A_183, %get3A_184, %get3A_185, %get3A_186] : memref<1x19x64x512xf32, #tpu.memory_space<vmem>>, vector<1x1x64x512xf32>
    %get3A_188 = vector.shape_cast %get3A_187 : vector<1x1x64x512xf32> to vector<64x512xf32>
    %jit3A_189 = arith.constant 0.000000e+00 : f32
    %broadcast_in_dim3A_190 = vector.broadcast %jit3A_189 : f32 to vector<64x512xf32>
    %select_n3A_191 = arith.select %eq3A_182, %get3A_188, %broadcast_in_dim3A_190 : vector<64x512xi1>, vector<64x512xf32>
    %add3A_192 = arith.addf %add3A_179, %select_n3A_191 : vector<64x512xf32>
    %eq3A_193 = arith.constant 14 : i32
    %eq3A_194 = vector.broadcast %eq3A_193 : i32 to vector<64x512xi32>
    %eq3A_195 = arith.cmpi eq, %get3A_7, %eq3A_194 : vector<64x512xi32>
    %get3A_196 = arith.constant 0 : index
    %get3A_197 = arith.constant 14 : index
    %get3A_198 = arith.constant 0 : index
    %get3A_199 = arith.constant 0 : index
    %get3A_200 = vector.load %arg2[%get3A_196, %get3A_197, %get3A_198, %get3A_199] : memref<1x19x64x512xf32, #tpu.memory_space<vmem>>, vector<1x1x64x512xf32>
    %get3A_201 = vector.shape_cast %get3A_200 : vector<1x1x64x512xf32> to vector<64x512xf32>
    %jit3A_202 = arith.constant 0.000000e+00 : f32
    %broadcast_in_dim3A_203 = vector.broadcast %jit3A_202 : f32 to vector<64x512xf32>
    %select_n3A_204 = arith.select %eq3A_195, %get3A_201, %broadcast_in_dim3A_203 : vector<64x512xi1>, vector<64x512xf32>
    %add3A_205 = arith.addf %add3A_192, %select_n3A_204 : vector<64x512xf32>
    %eq3A_206 = arith.constant 15 : i32
    %eq3A_207 = vector.broadcast %eq3A_206 : i32 to vector<64x512xi32>
    %eq3A_208 = arith.cmpi eq, %get3A_7, %eq3A_207 : vector<64x512xi32>
    %get3A_209 = arith.constant 0 : index
    %get3A_210 = arith.constant 15 : index
    %get3A_211 = arith.constant 0 : index
    %get3A_212 = arith.constant 0 : index
    %get3A_213 = vector.load %arg2[%get3A_209, %get3A_210, %get3A_211, %get3A_212] : memref<1x19x64x512xf32, #tpu.memory_space<vmem>>, vector<1x1x64x512xf32>
    %get3A_214 = vector.shape_cast %get3A_213 : vector<1x1x64x512xf32> to vector<64x512xf32>
    %jit3A_215 = arith.constant 0.000000e+00 : f32
    %broadcast_in_dim3A_216 = vector.broadcast %jit3A_215 : f32 to vector<64x512xf32>
    %select_n3A_217 = arith.select %eq3A_208, %get3A_214, %broadcast_in_dim3A_216 : vector<64x512xi1>, vector<64x512xf32>
    %add3A_218 = arith.addf %add3A_205, %select_n3A_217 : vector<64x512xf32>
    %eq3A_219 = arith.constant 16 : i32
    %eq3A_220 = vector.broadcast %eq3A_219 : i32 to vector<64x512xi32>
    %eq3A_221 = arith.cmpi eq, %get3A_7, %eq3A_220 : vector<64x512xi32>
    %get3A_222 = arith.constant 0 : index
    %get3A_223 = arith.constant 16 : index
    %get3A_224 = arith.constant 0 : index
    %get3A_225 = arith.constant 0 : index
    %get3A_226 = vector.load %arg2[%get3A_222, %get3A_223, %get3A_224, %get3A_225] : memref<1x19x64x512xf32, #tpu.memory_space<vmem>>, vector<1x1x64x512xf32>
    %get3A_227 = vector.shape_cast %get3A_226 : vector<1x1x64x512xf32> to vector<64x512xf32>
    %jit3A_228 = arith.constant 0.000000e+00 : f32
    %broadcast_in_dim3A_229 = vector.broadcast %jit3A_228 : f32 to vector<64x512xf32>
    %select_n3A_230 = arith.select %eq3A_221, %get3A_227, %broadcast_in_dim3A_229 : vector<64x512xi1>, vector<64x512xf32>
    %add3A_231 = arith.addf %add3A_218, %select_n3A_230 : vector<64x512xf32>
    %eq3A_232 = arith.constant 17 : i32
    %eq3A_233 = vector.broadcast %eq3A_232 : i32 to vector<64x512xi32>
    %eq3A_234 = arith.cmpi eq, %get3A_7, %eq3A_233 : vector<64x512xi32>
    %get3A_235 = arith.constant 0 : index
    %get3A_236 = arith.constant 17 : index
    %get3A_237 = arith.constant 0 : index
    %get3A_238 = arith.constant 0 : index
    %get3A_239 = vector.load %arg2[%get3A_235, %get3A_236, %get3A_237, %get3A_238] : memref<1x19x64x512xf32, #tpu.memory_space<vmem>>, vector<1x1x64x512xf32>
    %get3A_240 = vector.shape_cast %get3A_239 : vector<1x1x64x512xf32> to vector<64x512xf32>
    %jit3A_241 = arith.constant 0.000000e+00 : f32
    %broadcast_in_dim3A_242 = vector.broadcast %jit3A_241 : f32 to vector<64x512xf32>
    %select_n3A_243 = arith.select %eq3A_234, %get3A_240, %broadcast_in_dim3A_242 : vector<64x512xi1>, vector<64x512xf32>
    %add3A_244 = arith.addf %add3A_231, %select_n3A_243 : vector<64x512xf32>
    %eq3A_245 = arith.constant 18 : i32
    %eq3A_246 = vector.broadcast %eq3A_245 : i32 to vector<64x512xi32>
    %eq3A_247 = arith.cmpi eq, %get3A_7, %eq3A_246 : vector<64x512xi32>
    %get3A_248 = arith.constant 0 : index
    %get3A_249 = arith.constant 18 : index
    %get3A_250 = arith.constant 0 : index
    %get3A_251 = arith.constant 0 : index
    %get3A_252 = vector.load %arg2[%get3A_248, %get3A_249, %get3A_250, %get3A_251] : memref<1x19x64x512xf32, #tpu.memory_space<vmem>>, vector<1x1x64x512xf32>
    %get3A_253 = vector.shape_cast %get3A_252 : vector<1x1x64x512xf32> to vector<64x512xf32>
    %jit3A_254 = arith.constant 0.000000e+00 : f32
    %broadcast_in_dim3A_255 = vector.broadcast %jit3A_254 : f32 to vector<64x512xf32>
    %select_n3A_256 = arith.select %eq3A_247, %get3A_253, %broadcast_in_dim3A_255 : vector<64x512xi1>, vector<64x512xf32>
    %add3A_257 = arith.addf %add3A_244, %select_n3A_256 : vector<64x512xf32>
    %gt3A = arith.constant 0 : i32
    %gt3A_258 = vector.broadcast %gt3A : i32 to vector<64x512xi32>
    %gt3A_259 = arith.cmpi sgt, %get3A_12, %gt3A_258 : vector<64x512xi32>
    %jit3A_260 = arith.constant 0.000000e+00 : f32
    %broadcast_in_dim3A_261 = vector.broadcast %jit3A_260 : f32 to vector<64x512xf32>
    %select_n3A_262 = arith.select %gt3A_259, %add3A_257, %broadcast_in_dim3A_261 : vector<64x512xi1>, vector<64x512xf32>
    %get3A_263 = arith.constant 0 : index
    %get3A_264 = arith.constant 0 : index
    %get3A_265 = vector.load %arg5[%get3A_263, %get3A_264] : memref<8x128xf32, #tpu.memory_space<vmem>>, vector<8x128xf32>
    %reshape3A = vector.shape_cast %select_n3A_262 : vector<64x512xf32> to vector<8x8x4x128xf32>
    %reduce_sum3A = arith.constant dense<0.000000e+00> : vector<8x128xf32>
    %reduce_sum3A_266 = vector.multi_reduction <add>, %reshape3A, %reduce_sum3A [1, 2] : vector<8x8x4x128xf32> to vector<8x128xf32>
    %add3A_267 = arith.addf %get3A_265, %reduce_sum3A_266 : vector<8x128xf32>
    %swap3A = arith.constant 0 : index
    %swap3A_268 = arith.constant 0 : index
    %swap3A_269 = vector.load %arg5[%swap3A, %swap3A_268] : memref<8x128xf32, #tpu.memory_space<vmem>>, vector<8x128xf32>
    tpu.vector_store %arg5[%swap3A, %swap3A_268], %add3A_267 {strides = array<i32>} : memref<8x128xf32, #tpu.memory_space<vmem>>, vector<8x128xf32>,
    return
  }
  func.func @transform_0(%arg0: i32, %arg1: i32) -> (i32, i32, i32, i32) {
    %add3A = arith.constant 4 : i32
    %add3A_0 = arith.addi %arg0, %add3A : i32
    %c0_i32 = arith.constant 0 : i32
    %c0_i32_1 = arith.constant 0 : i32
    %c0_i32_2 = arith.constant 0 : i32
    return %add3A_0, %c0_i32, %arg1, %c0_i32_1 : i32, i32, i32, i32
  }
  func.func @transform_1(%arg0: i32, %arg1: i32) -> (i32, i32, i32) {
    %add3A = arith.constant 4 : i32
    %add3A_0 = arith.addi %arg0, %add3A : i32
    %c0_i32 = arith.constant 0 : i32
    %c0_i32_1 = arith.constant 0 : i32
    return %add3A_0, %arg1, %c0_i32 : i32, i32, i32
  }
  func.func @transform_2(%arg0: i32, %arg1: i32) -> (i32, i32, i32) {
    %add3A = arith.constant 4 : i32
    %add3A_0 = arith.addi %arg0, %add3A : i32
    %c0_i32 = arith.constant 0 : i32
    %c0_i32_1 = arith.constant 0 : i32
    return %add3A_0, %arg1, %c0_i32 : i32, i32, i32
  }
  func.func @transform_3(%arg0: i32, %arg1: i32) -> (i32, i32) {
    %c0_i32 = arith.constant 0 : i32
    %c0_i32_0 = arith.constant 0 : i32
    %c0_i32_1 = arith.constant 0 : i32
    return %c0_i32, %c0_i32_0 : i32, i32
  }
}

module attributes {stable_mosaic.version = 14 : i64} {
  func.func @_finish_body(%arg0: memref<32x16xf32, #tpu.memory_space<vmem>>, %arg1: memref<8x128xf32, #tpu.memory_space<vmem>>, %arg2: memref<8x128xf32, #tpu.memory_space<vmem>>) attributes {dimension_semantics = [], scalar_prefetch = 0 : i64, scratch_operands = 0 : i64, tpu.core_type = #tpu.core_type<tc>} {
    %get3A = arith.constant 0 : index
    %get3A_0 = arith.constant 0 : index
    %get3A_1 = vector.load %arg0[%get3A, %get3A_0] : memref<32x16xf32, #tpu.memory_space<vmem>>, vector<32x16xf32>
    %reduce_sum3A = vector.shape_cast %get3A_1 : vector<32x16xf32> to vector<1x32x16xf32>
    %reduce_sum3A_2 = arith.constant dense<0.000000e+00> : vector<1xf32>
    %reduce_sum3A_3 = vector.multi_reduction <add>, %reduce_sum3A, %reduce_sum3A_2 [1, 2] : vector<1x32x16xf32> to vector<1xf32>
    %reduce_sum3A_4 = vector.shape_cast %reduce_sum3A_3 : vector<1xf32> to vector<1x1x1xf32>
    %reduce_sum3A_5 = vector.extract %reduce_sum3A_4[0, 0, 0] : f32 from vector<1x1x1xf32>
    %get3A_6 = arith.constant 0 : index
    %get3A_7 = arith.constant 0 : index
    %get3A_8 = vector.load %arg1[%get3A_6, %get3A_7] : memref<8x128xf32, #tpu.memory_space<vmem>>, vector<8x128xf32>
    %reduce_sum3A_9 = vector.shape_cast %get3A_8 : vector<8x128xf32> to vector<1x8x128xf32>
    %reduce_sum3A_10 = arith.constant dense<0.000000e+00> : vector<1xf32>
    %reduce_sum3A_11 = vector.multi_reduction <add>, %reduce_sum3A_9, %reduce_sum3A_10 [1, 2] : vector<1x8x128xf32> to vector<1xf32>
    %reduce_sum3A_12 = vector.shape_cast %reduce_sum3A_11 : vector<1xf32> to vector<1x1x1xf32>
    %reduce_sum3A_13 = vector.extract %reduce_sum3A_12[0, 0, 0] : f32 from vector<1x1x1xf32>
    %add3A = arith.addf %reduce_sum3A_5, %reduce_sum3A_13 : f32
    %broadcast_in_dim3A = vector.broadcast %add3A : f32 to vector<8x128xf32>
    %swap3A = arith.constant 0 : index
    %swap3A_14 = arith.constant 0 : index
    %swap3A_15 = vector.load %arg2[%swap3A, %swap3A_14] : memref<8x128xf32, #tpu.memory_space<vmem>>, vector<8x128xf32>
    tpu.vector_store %arg2[%swap3A, %swap3A_14], %broadcast_in_dim3A {strides = array<i32>} : memref<8x128xf32, #tpu.memory_space<vmem>>, vector<8x128xf32>,
    return
  }
}

</mosaic_0001>

<sc_bundles>
// kernel: kernel.5.cloned.1.call-start
scs
__scs_entry_jumppad:
0x0: {  	(pc) =	sbr.rel $0x88, $3  }
0x1: {  	(tag) =	ssettag $0x0;
	lr =	simm.s32 $0x1  }
0x2: {  	[smem:$0x3F9E] =	sst lr;
	_ =	strace $0xD0000000  }
0x3: {  	_ = 	snop  }
0x4: {  	_ = 	snop  }
0x5: {  	_ = 	snop  }
0x6: {  	_ = 	snop  }
0x7: {  	_ = 	snop  }
__scs_overlays_trampoline_lowered:
0x8: {  	[smem:$0x3FAD] =	sst s0  }
0x9: {  	[smem:$0x3FAE] =	sst s1  }
0xa: {  	[smem:$0x3FAF] =	sst s2  }
0xb: {  	[smem:$0x3FB0] =	sst s3  }
0xc: {  	[smem:$0x3FB1] =	sst s4  }
0xd: {  	[smem:$0x3FB2] =	sst s5  }
0xe: {  	[smem:$0x3FB3] =	sst s6  }
0xf: {  	[smem:$0x3FB4] =	sst s7  }
0x10: {  	[smem:$0x3FB5] =	sst s8  }
0x11: {  	[smem:$0x3FB6] =	sst s9;
	s0 =	simm.s32 @!p0 $0x0  }
0x12: {  	s1 =	sld [smem:$0x3F9C];
	s0 =	simm.s32 @p0 $0x1  }
0x13: {  	[smem:$0x3FB7] =	sst s0;
	s0 =	simm.s32 @!p1 $0x0  }
0x14: {  	s2 =	sld [smem:$0x3F9B];
	s0 =	simm.s32 @p1 $0x1  }
0x15: {  	[smem:$0x3FB8] =	sst s0;
	s0 =	simm.s32 @!p2 $0x0  }
0x16: {  	s3 =	sld [smem:$0x3FDB];
	s0 =	simm.s32 @p2 $0x1  }
0x17: {  	s4 =	simm.s32 $0x1BF5;
	[smem:$0x3FBA] =	sst s0  }
0x18: {  	s0 =	sld [smem:$0x3F9D];
	_ =	swait.ge [sflag:s4], $0x0  }
0x19: {  	s7 =	sld [smem:$0x3F9E]  }
0x1a: {  	s8 =	sadd.s32 $0xFFFFE003, lr  }
0x1b: {  	s9 =	sadd.s32 $0xFFFFFEF7, lr;
	s5 =	simm.s32 $0xFFFFFFFF;
	p2 =	slt.u32 s8, $0xFFFFF086  }
0x1c: {  	p1 =	slt.u32 s9, $0xF7A;
	s5 =	simm.s32 @!p2 $0x0  }
0x1d: {  	s5 =	simm.s32 @p1 $0x1;
	p0 =	seq.s32 s7, s2  }
0x1e: {  	s7 =	smul.u32 @!p0 $0xF7A, s2;
	p2 =	seq.s32 @!p0 s5, $0x0  }
0x1f: {  	s9 =	smul.u32 $0xF7A, s1;
	s8 =	simm.s32 @!p0 $0x1BF5;
	p2 =	por !p2, p0  }
0x20: {  	[sflag:s8] =	ssyncset.s32 @!p0 $0xFFFFF086;
	s6 =	sadd.s32 @!p0 s3, s7;
	s7 =	simm.s32 @!p0 $0x108  }
0x21: {  	s3 =	sadd.s32 s3, s9;
	s6 =	sadd.s32 @!p0 $0x88, s6;
	s7 =	simm.s32 @p2 $0x1082  }
0x22: {  	[simem:s7], [sflag:s8] =	dma.local @!p0 [hbm:s6], $0xF7A  }
0x23: {  	s9 =	sor.u32 $0xD0000000, s2;
	s6 =	simm.s32 $0x108;
	_ =	swait.ge @!p0 [sflag:s8], $0x0  }
0x24: {  	s3 =	sadd.s32 $0x88, s3;
	s6 =	simm.s32 @!p1 $0x1082;
	[sflag:s4] =	ssyncset.s32 $0xFFFFF086  }
0x25: {  	[simem:s6], [sflag:s4] =	dma.local [hbm:s3], $0xF7A  }
0x26: {  	[smem:$0x3F9E] =	sst s1;
	(tag) =	ssettag s2;
	_ =	strace s9  }
0x27: {  	s1 =	sld [smem:$0x3FAE]  }
0x28: {  	s2 =	sld [smem:$0x3FAF]  }
0x29: {  	s4 =	sld [smem:$0x3FB1]  }
0x2a: {  	p0 =	seq.s32 s5, $0x0;
	s5 =	sld [smem:$0x3FB2]  }
0x2b: {  	s6 =	sld [smem:$0x3FB3]  }
0x2c: {  	s7 =	sld [smem:$0x3FB4]  }
0x2d: {  	s3 =	simm.s32 $0x108;
	s8 =	sld [smem:$0x3FB5]  }
0x2e: {  	s3 =	simm.s32 @!p0 $0x1082;
	s9 =	sld [smem:$0x3FB6]  }
0x2f: {  	lr =	sadd.s32 s0, s3;
	s0 =	sld [smem:$0x3FAD]  }
0x30: {  	s3 =	sld [smem:$0x3FB0]  }
0x31: {  	[smem:$0x3FB9] =	sst s10  }
0x32: {  	s10 =	sld [smem:$0x3FB7];
	_ =	sdelay $0x3  }
0x33: {  	p0 =	seq.s32 s10, $0x1;
	s10 =	sld [smem:$0x3FB9];
	_ =	sdelay $0x3  }
0x34: {  	[smem:$0x3FB9] =	sst s10  }
0x35: {  	s10 =	sld [smem:$0x3FB8];
	_ =	sdelay $0x3  }
0x36: {  	p1 =	seq.s32 s10, $0x1;
	s10 =	sld [smem:$0x3FB9];
	_ =	sdelay $0x3  }
0x37: {  	[smem:$0x3FB9] =	sst s10  }
0x38: {  	s10 =	sld [smem:$0x3FBA]  }
0x39: {  	_ = 	snop;
	(pc) =	sbr.ind lr, $3  }
0x3a: {  	_ = 	snop  }
0x3b: {  	_ = 	snop  }
0x3c: {  	p2 =	seq.s32 s10, $0x1;
	s10 =	sld [smem:$0x3FB9]  }
0x3d: {  	_ =	shalt  }
0x3e: {  	_ =	shalt  }
0x3f: {  	_ =	shalt  }
0x40: {  	_ =	shalt  }
0x41: {  	_ =	shalt  }
0x42: {  	_ =	shalt  }
0x43: {  	_ =	shalt  }
0x44: {  	_ =	shalt  }
0x45: {  	_ =	shalt  }
0x46: {  	_ =	shalt  }
0x47: {  	_ =	shalt  }
0x48: {  	_ =	shalt  }
0x49: {  	_ =	shalt  }
0x4a: {  	_ =	shalt  }
0x4b: {  	_ =	shalt  }
0x4c: {  	_ =	shalt  }
0x4d: {  	_ =	shalt  }
0x4e: {  	_ =	shalt  }
0x4f: {  	_ =	shalt  }
0x50: {  	_ =	shalt  }
0x51: {  	_ =	shalt  }
0x52: {  	_ =	shalt  }
0x53: {  	_ =	shalt  }
0x54: {  	_ =	shalt  }
0x55: {  	_ =	shalt  }
0x56: {  	_ =	shalt  }
0x57: {  	_ =	shalt  }
0x58: {  	_ =	shalt  }
0x59: {  	_ =	shalt  }
0x5a: {  	_ =	shalt  }
0x5b: {  	_ =	shalt  }
0x5c: {  	_ =	shalt  }
0x5d: {  	_ =	shalt  }
0x5e: {  	_ =	shalt  }
0x5f: {  	_ =	shalt  }
0x60: {  	_ =	shalt  }
0x61: {  	_ =	shalt  }
0x62: {  	_ =	shalt  }
0x63: {  	_ =	shalt  }
0x64: {  	_ =	shalt  }
0x65: {  	_ =	shalt  }
0x66: {  	_ =	shalt  }
0x67: {  	_ =	shalt  }
0x68: {  	_ =	shalt  }
0x69: {  	_ =	shalt  }
0x6a: {  	_ =	shalt  }
0x6b: {  	_ =	shalt  }
0x6c: {  	_ =	shalt  }
0x6d: {  	_ =	shalt  }
0x6e: {  	_ =	shalt  }
0x6f: {  	_ =	shalt  }
0x70: {  	_ =	shalt  }
0x71: {  	_ =	shalt  }
0x72: {  	_ =	shalt  }
0x73: {  	_ =	shalt  }
0x74: {  	_ =	shalt  }
0x75: {  	_ =	shalt  }
0x76: {  	_ =	shalt  }
0x77: {  	_ =	shalt  }
0x78: {  	_ =	shalt  }
0x79: {  	_ =	shalt  }
0x7a: {  	_ =	shalt  }
0x7b: {  	_ =	shalt  }
0x7c: {  	_ =	shalt  }
0x7d: {  	_ =	shalt  }
0x7e: {  	_ =	shalt  }
0x7f: {  	_ =	shalt  }
0x80: {  	_ =	shalt  }
0x81: {  	_ =	shalt  }
0x82: {  	_ =	shalt  }
0x83: {  	_ =	shalt  }
0x84: {  	_ =	shalt  }
0x85: {  	_ =	shalt  }
0x86: {  	_ =	shalt  }
0x87: {  	_ =	shalt  }
.Lfunc_end0:
.L_simem_size_0:
called_computation_lowered:
.L_overlay_start_0:
0x88: {  	s2 =	sld [smem:$0x3FD9]  }
0x89: {  	s3 =	sld [smem:$0x3FFE];
	_ =	sdelay $0x1  }
0x8a: {  	s1 =	srdreg.scid  }
0x8b: {  	s0 =	sand.u32 $0x1, s1  }
0x8c: {  	s17 =	sshll.u32 s0, $0xA;
	s2 =	sadd.s32 s3, s2  }
0x8d: {  	s2 =	sadd.s32 s2, s17  }
0x8e: {  	[smem:$0x3FC5] =	sst s2  }
0x8f: {  	_ = 	snop  }
0x90: {  	s2 =	sld [smem:$0x3FC9]  }
0x91: {  	s18 =	sld [smem:$0x3FC7];
	(tm) =	ssettm $0x1  }
0x92: {  	s4 =	sld [smem:$0x3FFB];
	_ =	sdelay $0x3  }
0x93: {  	_ =	strace s4  }
0x94: {  	s4 =	sld [smem:$0x3FFC];
	_ =	sdelay $0x3  }
0x95: {  	_ =	strace s4  }
0x96: {  	s4 =	sld [smem:$0x3FFD];
	_ =	sdelay $0x3  }
0x97: {  	_ =	strace s4  }
0x98: {  	_ =	strace $0x8FFFFFFF  }
0x99: {  	s19 =	sld [smem:$0x3FDB];
	_ =	sdelay $0x1  }
0x9a: {  	s5 =	simm.s32 $_scs_section_size  }
0x9b: {  	s6 =	simm.s32 $_size__tile_overlayer_lowered;
	s7 =	simm.s32 $_tile_overlayer_lowered  }
0x9c: {  	s22 =	simm.s32 $0x1BFF;
	s21 =	sshll.u32 s7, $0x1;
	s4 =	sadd.s32 s5, s19  }
0x9d: {  	s8 =	simm.s32 $0x0;
	s20 =	sshll.u32 s6, $0x1;
	s6 =	sadd.s32 s21, s4  }
0x9e: {  	[timem:s8], [sflag:s22] =	dma.local [hbm:s6], s20  }
0x9f: {  	_ =	swait.ge [sflag:s22], s20  }
0xa0: {  	s5 =	ssub.s32 $0x0, s20;
	[sflag:s22] =	ssyncset.done $0x0  }
0xa1: {  	[sflag:s22] =	ssyncadd.s32 s5;
	_ =	sdelay $0x1  }
0xa2: {  	s23 =	simm.s32 $0x1B8B  }
0xa3: {  	_ =	swait.ge [sflag:s23], $0x1  }
0xa4: {  	[sflag:s23] =	ssyncset.done $0x0  }
0xa5: {  	s25 =	simm.s32 $0x1B8E;
	s24 =	sld [smem:$0x3FFE];
	[sflag:s23] =	ssyncadd.s32 $0xFFFFFFFF  }
0xa6: {  	s26 =	simm.s32 $execute0_lowered;
	[smem:$0x3FD2] =	sst s25  }
0xa7: {  	s6 =	sshll.u32 s26, $0x1;
	_ =	strace $0x80000046;
	[dreg:$0x1] =	wrdreg $0xFFFFFFFF  }
0xa8: {  	s28 =	simm.s32 $_size_execute0_lowered;
	s4 =	sadd.s32 s4, s6;
	[dreg:$0x0] =	wrdreg $0x0  }
0xa9: {  	s6 =	sshll.u32 s28, $0x1;
	[dreg:$0x2] =	wrdreg s4  }
0xaa: {  	[dreg:$0x3] =	wrdreg s6  }
0xab: {  	[dreg:$0x4] =	wrdreg $0xC0  }
0xac: {  	_ =	task [dreg:s8], $0x5FFFF  }
0xad: {  	[dreg:$0x1] =	wrdreg $0xFFFFFFFF  }
0xae: {  	[dreg:$0x0] =	wrdreg $0x60  }
0xaf: {  	[dreg:$0x2] =	wrdreg s2  }
0xb0: {  	[dreg:$0x3] =	wrdreg s18  }
0xb1: {  	[dreg:$0x4] =	wrdreg s24  }
0xb2: {  	[dreg:$0x5] =	wrdreg $0x9  }
0xb3: {  	_ =	task.clear_ibuf [dreg:s8], $0x6FFFF;
	_ =	strace $0x90000046  }
0xb4: {  	s29 =	simm.s32 $0x9;
	_ =	strace $0x80000048  }
0xb5: {  	_ =	swait.ge [sflag:s29], $0x1  }
0xb6: {  	[sflag:s29] =	ssyncadd.s32 $0xFFFFFFFF  }
0xb7: {  	_ =	strace $0x90000048  }
0xb8: {  	_ =	sfence  }
0xb9: {  	s30 =	sld [smem:$0x0];
	_ =	sdelay $0x2  }
0xba: {  	s31 =	sshll.u32 s1, $0xD;
	s1 =	sshrl.u32 s1, $0x2  }
0xbb: {  	s3 =	sand.u32 $0x4000, s31;
	s1 =	sadd.s32 s1, s30  }
0xbc: {  	s0 =	sor.u32 s3, s0;
	s1 =	sshll.u32 s1, $0x11  }
0xbd: {  	s0 =	sor.u32 s1, s0  }
0xbe: {  	s0 =	sadd.s32 $0x8F2B, s0  }
0xbf: {  	[sflag:s0] =	ssyncadd.remote.s32 $0x1  }
0xc0: {  	_ =	sfence.sel $0xFFFF  }
0xc1: {  	[dreg:$0x0] =	wrdreg $0xFFFFFFFF;
	(pc) =	sbr.abs _section_cstart, $3  }
0xc2: {  	[dreg:$0x1] =	wrdreg $0xFFFFFFFF  }
0xc3: {  	_ =	task.clear_ibuf [dreg:s8], $0x2FFFF;
	_ =	strace $0x9FFFFFFF  }
0xc4: {  	(tm) =	ssettm $0x7FFFFFFF  }
0xc5: {  	_ =	shalt  }
tec
execute0_lowered:
.L_overlay_start_1:
0x0: {  	(tag) =	ssettag $0x1  }
0x1: {  	s1 =	rddreg [dreg:$0x0]  }
0x2: {  	s2 =	rddreg [dreg:$0x1]  }
0x3: {  	s0 =	rddreg [dreg:$0x2]  }
0x4: {  	s4 =	simm.s32 $0x0;
	s3 =	srdreg.scid;
	s9 =	stileid.u32  }
0x5: {  	s21 =	simm.s32 $0x400;
	s28 =	simm.s32 $0x2;
	s29 =	simm.s32 $0x3  }
0x6: {  	s30 =	simm.s32 $0x4;
	[smem:$0x7FF] =	sst s4;
	s3 =	sand.u32 $0x1, s3  }
0x7: {  	s5 =	sshll.u32 s9, $0x1;
	s9 =	sshrl.u32 s9, $0x2;
	s14 =	sadd.s32 $0x180, s1  }
0x8: {  	_ =	strace $0x80000047;
	s7 =	sor.u32 s3, s5;
	s5 =	sadd.s32 $0xA00, s0  }
0x9: {  	s3 =	ssub.s32 $0x2, s3;
	s11 =	sshll.u32 s9, $0x12;
	s9 =	smul.u32 $0x4C0000, s9  }
0xa: {  	s6 =	sshll.u32 s7, $0x4;
	s8 =	sshrl.u32 s3, $0x1;
	s10 =	sshll.u32 s7, $0xF  }
0xb: {  	s16 =	sshll.u32 s7, $0xC;
	s10 =	sand.u32 $0x38000, s10;
	s0 =	sadd.s32 s6, s0  }
0xc: {  	s3 =	ssub.s32 s3, s8;
	s22 =	sor.u32 s11, s10;
	s0 =	sadd.s32 $0x40A00, s0  }
0xd: {  	s31 =	smax.u32 s3, $0x1;
	s8 =	sshrl.u32 s22, $0x3;
	[dreg:$0xa] =	wrdreg s0  }
0xe: {  	s9 =	sor.u32 s9, s10;
	[dreg:$0xb] =	wrdreg s31;
	s23 =	sadd.s32 s2, s8  }
0xf: {  	s24 =	sshrl.u32 s9, $0x3;
	s8 =	sadd.s32 s5, s8;
	[dreg:$0x4] =	wrdreg s23  }
0x10: {  	s10 =	sadd.s32 $0x80, s1;
	s9 =	sadd.s32 s1, s24;
	[dreg:$0x5] =	wrdreg s8  }
0x11: {  	s11 =	sadd.s32 $0x100, s1;
	s25 =	sadd.s32 s24, s10;
	[dreg:$0x6] =	wrdreg s9  }
0x12: {  	s6 =	sshll.u32 s7, $0x6;
	s26 =	sadd.s32 s24, s11;
	[dreg:$0x7] =	wrdreg s25  }
0x13: {  	s3 =	simm.s32 $0x0;
	s22 =	simm.s32 $0x40000;
	[dreg:$0x8] =	wrdreg s26  }
0x14: {  	s8 =	sadd.s32 s24, s14;
	s23 =	simm.s32 $0x4C00;
	s24 =	simm.s32 $0x9800  }
0x15: {  	v0 =	vlaneseq.u32;
	s25 =	simm.s32 $0xE400;
	s26 =	simm.s32 $0x1;
	[dreg:$0x9] =	wrdreg s8  }
.LBB2_1:
0x16: {  	s0 =	rddreg [dreg:$0x4];
	s7 =	simm.s32 $0x13000  }
0x17: {  	[tilespmem:s7], [sflag:$0x5] =	stream.linear.gather [hbm4b:s0+s4], $0x1000, $0x38;
	[tilespmem:$0x17080] =	vst v63  }
0x18: {  	s15 =	rddreg [dreg:$0x5];
	s17 =	simm.s32 $0x15000  }
0x19: {  	[tilespmem:s17], [sflag:$0x7] =	stream.linear.gather [hbm4b:s15+s4], $0x1000, $0x38;
	[tilespmem:$0x17080] =	vst v63  }
0x1a: {  	s18 =	rddreg [dreg:$0x6]  }
0x1b: {  	[tilespmem:s4], [sflag:$0x1] =	stream.strided.gather [hbm4b:s18+s21], $0x4C00, s22, s21, $0x38;
	[tilespmem:$0x17080] =	vst v63  }
0x1c: {  	s19 =	rddreg [dreg:$0x7]  }
0x1d: {  	[tilespmem:s23], [sflag:$0x2] =	stream.strided.gather [hbm4b:s19+s21], $0x4C00, s22, s21, $0x38;
	[tilespmem:$0x17080] =	vst v63  }
0x1e: {  	s20 =	rddreg [dreg:$0x8]  }
0x1f: {  	[tilespmem:s24], [sflag:$0x3] =	stream.strided.gather [hbm4b:s20+s21], $0x4C00, s22, s21, $0x38;
	[tilespmem:$0x17080] =	vst v63  }
0x20: {  	s31 =	rddreg [dreg:$0x9];
	s19 =	simm.s32 $0x0  }
0x21: {  	v1 =	vimm.f32 $0.0e+00;
	[tilespmem:s25], [sflag:$0x4] =	stream.strided.gather [hbm4b:s31+s21], $0x4C00, s22, s21, $0x38;
	[tilespmem:$0x17080] =	vst v63  }
.LBB2_2:
0x22: {  	s7 =	smov.u32 s19  }
0x23: {  	s19 =	sadd.s32 $0x1, s19;
	p0 =	seq.s32 s7, $0x7;
	s7 =	sand.u32 $0x1, s7  }
0x24: {  	s8 =	sand.u32 @!p0 $0x1, s19;
	s9 =	sshll.u32 @!p0 s19, $0x9;
	s31 =	simm.s32 @!p0 $0x0  }
0x25: {  	s18 =	sadd.s32 $0x5, s7;
	s12 =	sshll.u32 @!p0 s8, $0xC;
	s9 =	sadd.s32 @!p0 s16, s9  }
0x26: {  	s15 =	sadd.s32 @!p0 $0x5, s8;
	s13 =	sadd.s32 @!p0 $0x13000, s12;
	s20 =	sadd.s32 @!p0 s2, s9  }
0x27: {  	[tilespmem:s13], [sflag:s15] =	stream.linear.gather @!p0 [hbm4b:s20+s31], $0x1000, $0x38;
	[tilespmem:$0x17080] =	vst v63  }
0x28: {  	s8 =	sadd.s32 @!p0 $0x7, s8;
	s12 =	sadd.s32 @!p0 $0x15000, s12;
	s9 =	sadd.s32 @!p0 s5, s9  }
0x29: {  	[tilespmem:s12], [sflag:s8] =	stream.linear.gather @!p0 [hbm4b:s9+s31], $0x1000, $0x38;
	[tilespmem:$0x17080] =	vst v63  }
0x2a: {  	_ =	swait.ge [sflag:s18], $0x1000  }
0x2b: {  	[sflag:s18] =	ssyncset.done $0x0  }
0x2c: {  	s20 =	sadd.s32 $0x7, s7;
	[sflag:s18] =	ssyncadd.s32 $0xFFFFF000  }
0x2d: {  	_ =	swait.ge [sflag:s20], $0x1000  }
0x2e: {  	[sflag:s20] =	ssyncset.done $0x0  }
0x2f: {  	s0 =	simm.s32 $0x0;
	s9 =	simm.s32 $0x0;
	[sflag:s20] =	ssyncadd.s32 $0xFFFFF000  }
0x30: {  	s8 =	sand.u32 $0xFFFFFF80, s0;
	s20 =	sshll.u32 s7, $0xC;
	_ =	swait.ge [sflag:s26], $0x4C00  }
0x31: {  	s7 =	sand.u32 $0x70, s9;
	s12 =	sadd.s32 s20, s8;
	[sflag:s26] =	ssyncset.done $0x0  }
0x32: {  	s9 =	sor.u32 s7, s12;
	[sflag:s26] =	ssyncadd.s32 $0xFFFFB400  }
0x33: {  	v2 =	vld [tilespmem:s9+$0x13000]  }
0x34: {  	s13 =	simm.s32 $0x10  }
0x35: {  	s15 =	simm.s32 $0x10;
	s12 =	sand.u32 $0xFFFFFF80, s13  }
0x36: {  	s13 =	sand.u32 $0x70, s15;
	s17 =	sadd.s32 s20, s12  }
0x37: {  	s15 =	sor.u32 s13, s17  }
0x38: {  	v3 =	vld [tilespmem:s15+$0x13000];
	v2 =	vshll.u32 v2, $0xA  }
0x39: {  	v2 =	vadd.s32 s8, v2  }
0x3a: {  	s18 =	simm.s32 $0x20;
	v2 =	vor.u32 s7, v2  }
0x3b: {  	s0 =	simm.s32 $0x20;
	s17 =	sand.u32 $0xFFFFFF80, s18;
	v2 =	vor.u32 v0, v2  }
0x3c: {  	s18 =	sand.u32 $0x70, s0;
	s8 =	sadd.s32 s20, s17  }
0x3d: {  	v3 =	vshll.u32 v3, $0xA;
	s7 =	sor.u32 s18, s8  }
0x3e: {  	v3 =	vadd.s32 s12, v3;
	v4 =	vld [tilespmem:s7+$0x13000]  }
0x3f: {  	v5 =	vld [tilespmem:s9+$0x15000];
	v3 =	vor.u32 s13, v3  }
0x40: {  	s13 =	simm.s32 $0x30;
	v3 =	vor.u32 v0, v3;
	v8 =	vld.idx.msk [tilespmem:v2+s4+$0x0], $0xffff  }
0x41: {  	s12 =	simm.s32 $0x30;
	s9 =	sand.u32 $0xFFFFFF80, s13  }
0x42: {  	s31 =	sand.u32 $0x70, s12;
	s8 =	sadd.s32 s20, s9  }
0x43: {  	s8 =	sor.u32 s31, s8;
	v4 =	vshll.u32 v4, $0xA;
	v2 =	vld [tilespmem:s15+$0x15000]  }
0x44: {  	vm0 =	vgt.s32 v5, $0x0;
	v6 =	vld [tilespmem:s8+$0x13000];
	v4 =	vadd.s32 s17, v4  }
0x45: {  	s13 =	simm.s32 $0x4;
	v3 =	vld.idx.msk [tilespmem:v3+s4+$0x0], $0xffff;
	v7 =	vor.u32 s18, v4;
	v4 =	vimm.f32 $0.0e+00;
	v5 =	vnsel vm0, $0x0, v8  }
.LBB2_3:
0x46: {  	s15 =	sshll.u32 s13, $0x4;
	p1 =	sne.s32 s13, $0x3F;
	s13 =	sadd.s32 $0x1, s13;
	v8 =	vor.u32 v0, v7;
	v4 =	vadd.f32 v5, v4  }
.Ltmp0:
0x47: {  	s12 =	sadd.s32 $0x10, s12;
	s15 =	sand.u32 $0xFFFFFF80, s15;
	(pc) =	sbr.rel @p1 .LBB2_3-.Ltmp0, $4  }
0x48: {  	s17 =	sand.u32 $0x70, s12;
	s18 =	sadd.s32 s20, s15;
	v5 =	vmov v2  }
0x49: {  	v7 =	vshll.u32 v6, $0xA;
	v2 =	vld [tilespmem:s7+$0x15000];
	s7 =	smov.u32 s8;
	s8 =	sor.u32 s17, s18  }
0x4a: {  	vm0 =	vgt.s32 v5, $0x0;
	v6 =	vld [tilespmem:s8+$0x13000];
	v7 =	vadd.s32 s9, v7;
	s9 =	smov.u32 s15  }
0x4b: {  	v5 =	vnsel vm0, $0x0, v3;
	v7 =	vor.u32 s31, v7;
	v3 =	vld.idx.msk [tilespmem:v8+s4+$0x0], $0xffff;
	s31 =	smov.u32 s17  }
0x4c: {  	_ =	sdelay $0x2  }
0x4d: {  	s12 =	sshll.u32 @!p0 s19, $0x3;
	v6 =	vshll.u32 v6, $0xA  }
0x4e: {  	v6 =	vadd.s32 s9, v6;
	s9 =	sadd.s32 @!p0 s6, s12  }
0x4f: {  	v7 =	vor.u32 v0, v7;
	v6 =	vor.u32 s31, v6;
	s12 =	sshrl.u32 @!p0 s9, $0x9  }
0x50: {  	s9 =	sshll.u32 @!p0 s9, $0x9;
	v6 =	vor.u32 v0, v6;
	s12 =	smul.u32 @!p0 $0x4C0000, s12  }
0x51: {  	s9 =	sand.u32 @!p0 $0x3F000, s9  }
0x52: {  	v8 =	vld [tilespmem:s7+$0x15000];
	s7 =	sor.u32 @!p0 s9, s12  }
0x53: {  	v9 =	vld [tilespmem:s8+$0x15000];
	s8 =	simm.s32 @!p0 $0x400;
	s31 =	sshrl.u32 @!p0 s7, $0x3  }
0x54: {  	v7 =	vld.idx.msk [tilespmem:v7+s4+$0x0], $0xffff;
	s9 =	simm.s32 @!p0 $0x40000;
	s12 =	simm.s32 @!p0 $0x0;
	s7 =	sadd.s32 @!p0 s1, s31  }
0x55: {  	v6 =	vld.idx.msk [tilespmem:v6+s4+$0x0], $0xffff;
	[tilespmem:s12], [sflag:$0x1] =	stream.strided.gather @!p0 [hbm4b:s7+s8], $0x4C00, s9, s8, $0x38  }
0x56: {  	s12 =	simm.s32 $0x0  }
0x57: {  	s13 =	simm.s32 $0x0;
	_ =	swait.ge [sflag:s28], $0x4C00;
	s7 =	sand.u32 $0xFFFFFF80, s12  }
0x58: {  	s8 =	sand.u32 $0x70, s13;
	[sflag:s28] =	ssyncset.done $0x0;
	s15 =	sadd.s32 s20, s7  }
0x59: {  	[sflag:s28] =	ssyncadd.s32 $0xFFFFB400;
	s9 =	sor.u32 s8, s15  }
0x5a: {  	v10 =	vld [tilespmem:s9+$0x13400]  }
0x5b: {  	s17 =	simm.s32 $0x10  }
0x5c: {  	s13 =	simm.s32 $0x10;
	s12 =	sand.u32 $0xFFFFFF80, s17  }
0x5d: {  	s13 =	sand.u32 $0x70, s13;
	s15 =	sadd.s32 s20, s12  }
0x5e: {  	s15 =	sor.u32 s13, s15  }
0x5f: {  	v11 =	vld [tilespmem:s15+$0x13400];
	v10 =	vshll.u32 v10, $0xA  }
0x60: {  	v10 =	vadd.s32 s7, v10  }
0x61: {  	s18 =	simm.s32 $0x20;
	v10 =	vor.u32 s8, v10  }
0x62: {  	s0 =	simm.s32 $0x20;
	s17 =	sand.u32 $0xFFFFFF80, s18;
	v10 =	vor.u32 v0, v10  }
0x63: {  	v4 =	vadd.f32 v5, v4;
	vm0 =	vgt.s32 v2, $0x0;
	s18 =	sand.u32 $0x70, s0;
	s8 =	sadd.s32 s20, s17  }
0x64: {  	v2 =	vnsel vm0, $0x0, v3;
	v3 =	vshll.u32 v11, $0xA;
	s7 =	sor.u32 s18, s8  }
0x65: {  	v2 =	vadd.f32 v2, v4;
	vm13 =	vgt.s32 v8, $0x0;
	v3 =	vadd.s32 s12, v3;
	v4 =	vld [tilespmem:s7+$0x13400]  }
0x66: {  	v5 =	vnsel vm13, $0x0, v7;
	v7 =	vld [tilespmem:s9+$0x15400];
	v3 =	vor.u32 s13, v3  }
0x67: {  	vm14 =	vgt.s32 v9, $0x0;
	v2 =	vadd.f32 v5, v2;
	s13 =	simm.s32 $0x30;
	v8 =	vor.u32 v0, v3;
	v5 =	vld.idx.msk [tilespmem:v10+s23+$0x0], $0xffff  }
0x68: {  	s12 =	simm.s32 $0x30;
	v3 =	vnsel vm14, $0x0, v6;
	s9 =	sand.u32 $0xFFFFFF80, s13  }
0x69: {  	s13 =	sand.u32 $0x70, s12;
	v3 =	vadd.f32 v3, v2;
	s8 =	sadd.s32 s20, s9  }
0x6a: {  	v2 =	vld [tilespmem:s15+$0x15400];
	s8 =	sor.u32 s13, s8;
	v4 =	vshll.u32 v4, $0xA  }
0x6b: {  	vm15 =	vgt.s32 v7, $0x0;
	v1 =	vadd.f32 v3, v1;
	v6 =	vld [tilespmem:s8+$0x13400];
	v4 =	vadd.s32 s17, v4  }
0x6c: {  	s15 =	simm.s32 $0x4;
	v3 =	vimm.f32 $0.0e+00;
	v7 =	vor.u32 s18, v4;
	v4 =	vld.idx.msk [tilespmem:v8+s23+$0x0], $0xffff;
	v5 =	vnsel vm15, $0x0, v5  }
.LBB2_5:
0x6d: {  	s17 =	sshll.u32 s15, $0x4;
	p1 =	sne.s32 s15, $0x3F;
	s15 =	sadd.s32 $0x1, s15;
	v8 =	vor.u32 v0, v7;
	v3 =	vadd.f32 v5, v3  }
.Ltmp1:
0x6e: {  	s12 =	sadd.s32 $0x10, s12;
	s17 =	sand.u32 $0xFFFFFF80, s17;
	(pc) =	sbr.rel @p1 .LBB2_5-.Ltmp1, $4  }
0x6f: {  	s18 =	sand.u32 $0x70, s12;
	s0 =	sadd.s32 s20, s17;
	v5 =	vmov v2  }
0x70: {  	v7 =	vshll.u32 v6, $0xA;
	v2 =	vld [tilespmem:s7+$0x15400];
	s7 =	smov.u32 s8;
	s8 =	sor.u32 s18, s0  }
0x71: {  	vm0 =	vgt.s32 v5, $0x0;
	v6 =	vld [tilespmem:s8+$0x13400];
	v7 =	vadd.s32 s9, v7;
	s9 =	smov.u32 s17  }
0x72: {  	v5 =	vnsel vm0, $0x0, v4;
	v7 =	vor.u32 s13, v7;
	v4 =	vld.idx.msk [tilespmem:v8+s23+$0x0], $0xffff;
	s13 =	smov.u32 s18  }
0x73: {  	_ =	sdelay $0x2  }
0x74: {  	v6 =	vshll.u32 v6, $0xA  }
0x75: {  	v6 =	vadd.s32 s9, v6  }
0x76: {  	v7 =	vor.u32 v0, v7;
	v6 =	vor.u32 s13, v6  }
0x77: {  	v6 =	vor.u32 v0, v6;
	_ =	sdelay $0x1  }
0x78: {  	v8 =	vld [tilespmem:s7+$0x15400]  }
0x79: {  	v9 =	vld [tilespmem:s8+$0x15400];
	s0 =	sadd.s32 @!p0 s31, s10  }
0x7a: {  	s7 =	simm.s32 @!p0 $0x400;
	s8 =	simm.s32 @!p0 $0x40000;
	s9 =	simm.s32 @!p0 $0x4C00;
	v7 =	vld.idx.msk [tilespmem:v7+s23+$0x0], $0xffff  }
0x7b: {  	v6 =	vld.idx.msk [tilespmem:v6+s23+$0x0], $0xffff;
	[tilespmem:s9], [sflag:$0x2] =	stream.strided.gather @!p0 [hbm4b:s0+s7], $0x4C00, s8, s7, $0x38  }
0x7c: {  	s8 =	simm.s32 $0x0  }
0x7d: {  	s9 =	simm.s32 $0x0;
	_ =	swait.ge [sflag:s29], $0x4C00;
	s0 =	sand.u32 $0xFFFFFF80, s8  }
0x7e: {  	s7 =	sand.u32 $0x70, s9;
	[sflag:s29] =	ssyncset.done $0x0;
	s12 =	sadd.s32 s20, s0  }
0x7f: {  	[sflag:s29] =	ssyncadd.s32 $0xFFFFB400;
	s8 =	sor.u32 s7, s12  }
0x80: {  	v10 =	vld [tilespmem:s8+$0x13800]  }
0x81: {  	s13 =	simm.s32 $0x10  }
0x82: {  	s9 =	sand.u32 $0xFFFFFF80, s13;
	s12 =	simm.s32 $0x10  }
0x83: {  	s15 =	sadd.s32 s20, s9;
	s12 =	sand.u32 $0x70, s12  }
0x84: {  	s15 =	sor.u32 s12, s15  }
0x85: {  	v11 =	vld [tilespmem:s15+$0x13800];
	v10 =	vshll.u32 v10, $0xA  }
0x86: {  	v10 =	vadd.s32 s0, v10  }
0x87: {  	s17 =	simm.s32 $0x20;
	v10 =	vor.u32 s7, v10  }
0x88: {  	s18 =	simm.s32 $0x20;
	s0 =	sand.u32 $0xFFFFFF80, s17;
	v10 =	vor.u32 v0, v10  }
0x89: {  	v3 =	vadd.f32 v5, v3;
	vm0 =	vgt.s32 v2, $0x0;
	s17 =	sand.u32 $0x70, s18;
	s13 =	sadd.s32 s20, s0  }
0x8a: {  	v2 =	vnsel vm0, $0x0, v4;
	v4 =	vshll.u32 v11, $0xA;
	s7 =	sor.u32 s17, s13  }
0x8b: {  	v2 =	vadd.f32 v2, v3;
	vm13 =	vgt.s32 v8, $0x0;
	v4 =	vadd.s32 s9, v4;
	v3 =	vld [tilespmem:s7+$0x13800]  }
0x8c: {  	v5 =	vnsel vm13, $0x0, v7;
	v7 =	vld [tilespmem:s8+$0x15800];
	v4 =	vor.u32 s12, v4  }
0x8d: {  	vm14 =	vgt.s32 v9, $0x0;
	v2 =	vadd.f32 v5, v2;
	s18 =	simm.s32 $0x30;
	v4 =	vor.u32 v0, v4;
	v5 =	vld.idx.msk [tilespmem:v10+s24+$0x0], $0xffff  }
0x8e: {  	v6 =	vnsel vm14, $0x0, v6;
	s9 =	sand.u32 $0xFFFFFF80, s18;
	s12 =	simm.s32 $0x30  }
0x8f: {  	v6 =	vadd.f32 v6, v2;
	s8 =	sadd.s32 s20, s9;
	s13 =	sand.u32 $0x70, s12  }
0x90: {  	v2 =	vld [tilespmem:s15+$0x15800];
	s8 =	sor.u32 s13, s8;
	v3 =	vshll.u32 v3, $0xA  }
0x91: {  	v1 =	vadd.f32 v6, v1;
	vm15 =	vgt.s32 v7, $0x0;
	v6 =	vld [tilespmem:s8+$0x13800];
	v8 =	vadd.s32 s0, v3  }
0x92: {  	s15 =	simm.s32 $0x4;
	v3 =	vimm.f32 $0.0e+00;
	v4 =	vld.idx.msk [tilespmem:v4+s24+$0x0], $0xffff;
	v7 =	vor.u32 s17, v8;
	v5 =	vnsel vm15, $0x0, v5  }
.LBB2_7:
0x93: {  	s0 =	sshll.u32 s15, $0x4;
	p1 =	sne.s32 s15, $0x3F;
	s15 =	sadd.s32 $0x1, s15;
	v8 =	vor.u32 v0, v7;
	v3 =	vadd.f32 v5, v3  }
.Ltmp2:
0x94: {  	s12 =	sadd.s32 $0x10, s12;
	s0 =	sand.u32 $0xFFFFFF80, s0;
	(pc) =	sbr.rel @p1 .LBB2_7-.Ltmp2, $4  }
0x95: {  	s17 =	sand.u32 $0x70, s12;
	s18 =	sadd.s32 s20, s0;
	v5 =	vmov v2  }
0x96: {  	v7 =	vshll.u32 v6, $0xA;
	v2 =	vld [tilespmem:s7+$0x15800];
	s7 =	smov.u32 s8;
	s8 =	sor.u32 s17, s18  }
0x97: {  	vm0 =	vgt.s32 v5, $0x0;
	v6 =	vld [tilespmem:s8+$0x13800];
	v7 =	vadd.s32 s9, v7;
	s9 =	smov.u32 s0  }
0x98: {  	v5 =	vnsel vm0, $0x0, v4;
	v7 =	vor.u32 s13, v7;
	v4 =	vld.idx.msk [tilespmem:v8+s24+$0x0], $0xffff;
	s13 =	smov.u32 s17  }
0x99: {  	_ =	sdelay $0x2  }
0x9a: {  	v6 =	vshll.u32 v6, $0xA  }
0x9b: {  	v6 =	vadd.s32 s9, v6  }
0x9c: {  	v7 =	vor.u32 v0, v7;
	v6 =	vor.u32 s13, v6  }
0x9d: {  	v6 =	vor.u32 v0, v6;
	_ =	sdelay $0x1  }
0x9e: {  	v8 =	vld [tilespmem:s7+$0x15800]  }
0x9f: {  	v9 =	vld [tilespmem:s8+$0x15800];
	s0 =	sadd.s32 @!p0 s31, s11  }
0xa0: {  	s7 =	simm.s32 @!p0 $0x400;
	s8 =	simm.s32 @!p0 $0x40000;
	s9 =	simm.s32 @!p0 $0x9800;
	v7 =	vld.idx.msk [tilespmem:v7+s24+$0x0], $0xffff  }
0xa1: {  	v6 =	vld.idx.msk [tilespmem:v6+s24+$0x0], $0xffff;
	[tilespmem:s9], [sflag:$0x3] =	stream.strided.gather @!p0 [hbm4b:s0+s7], $0x4C00, s8, s7, $0x38  }
0xa2: {  	s8 =	simm.s32 $0x0  }
0xa3: {  	s9 =	simm.s32 $0x0;
	_ =	swait.ge [sflag:s30], $0x4C00;
	s0 =	sand.u32 $0xFFFFFF80, s8  }
0xa4: {  	s7 =	sand.u32 $0x70, s9;
	[sflag:s30] =	ssyncset.done $0x0;
	s12 =	sadd.s32 s20, s0  }
0xa5: {  	[sflag:s30] =	ssyncadd.s32 $0xFFFFB400;
	s8 =	sor.u32 s7, s12  }
0xa6: {  	v10 =	vld [tilespmem:s8+$0x13C00]  }
0xa7: {  	s13 =	simm.s32 $0x10  }
0xa8: {  	s9 =	sand.u32 $0xFFFFFF80, s13;
	s12 =	simm.s32 $0x10  }
0xa9: {  	s15 =	sadd.s32 s20, s9;
	s12 =	sand.u32 $0x70, s12  }
0xaa: {  	s15 =	sor.u32 s12, s15  }
0xab: {  	v11 =	vld [tilespmem:s15+$0x13C00];
	v10 =	vshll.u32 v10, $0xA  }
0xac: {  	v10 =	vadd.s32 s0, v10  }
0xad: {  	s17 =	simm.s32 $0x20;
	v10 =	vor.u32 s7, v10  }
0xae: {  	s18 =	simm.s32 $0x20;
	s0 =	sand.u32 $0xFFFFFF80, s17;
	v10 =	vor.u32 v0, v10  }
0xaf: {  	v3 =	vadd.f32 v5, v3;
	vm0 =	vgt.s32 v2, $0x0;
	s17 =	sand.u32 $0x70, s18;
	s13 =	sadd.s32 s20, s0  }
0xb0: {  	v2 =	vnsel vm0, $0x0, v4;
	v4 =	vshll.u32 v11, $0xA;
	s7 =	sor.u32 s17, s13  }
0xb1: {  	v2 =	vadd.f32 v2, v3;
	vm13 =	vgt.s32 v8, $0x0;
	v4 =	vadd.s32 s9, v4;
	v3 =	vld [tilespmem:s7+$0x13C00]  }
0xb2: {  	v5 =	vnsel vm13, $0x0, v7;
	v7 =	vld [tilespmem:s8+$0x15C00];
	v4 =	vor.u32 s12, v4  }
0xb3: {  	vm14 =	vgt.s32 v9, $0x0;
	v2 =	vadd.f32 v5, v2;
	s18 =	simm.s32 $0x30;
	v4 =	vor.u32 v0, v4;
	v8 =	vld.idx.msk [tilespmem:v10+s25+$0x0], $0xffff  }
0xb4: {  	v5 =	vnsel vm14, $0x0, v6;
	s9 =	sand.u32 $0xFFFFFF80, s18;
	s12 =	simm.s32 $0x30  }
0xb5: {  	v5 =	vadd.f32 v5, v2;
	s8 =	sadd.s32 s20, s9;
	s13 =	sand.u32 $0x70, s12  }
0xb6: {  	v2 =	vld [tilespmem:s15+$0x15C00];
	s8 =	sor.u32 s13, s8;
	v3 =	vshll.u32 v3, $0xA  }
0xb7: {  	v1 =	vadd.f32 v5, v1;
	vm15 =	vgt.s32 v7, $0x0;
	v5 =	vld [tilespmem:s8+$0x13C00];
	v6 =	vadd.s32 s0, v3  }
0xb8: {  	s15 =	simm.s32 $0x4;
	v3 =	vimm.f32 $0.0e+00;
	v4 =	vld.idx.msk [tilespmem:v4+s25+$0x0], $0xffff;
	v7 =	vor.u32 s17, v6;
	v6 =	vnsel vm15, $0x0, v8  }
.LBB2_9:
0xb9: {  	s0 =	sshll.u32 s15, $0x4;
	p1 =	sne.s32 s15, $0x3F;
	s15 =	sadd.s32 $0x1, s15;
	v8 =	vor.u32 v0, v7;
	v3 =	vadd.f32 v6, v3  }
.Ltmp3:
0xba: {  	s12 =	sadd.s32 $0x10, s12;
	s0 =	sand.u32 $0xFFFFFF80, s0;
	(pc) =	sbr.rel @p1 .LBB2_9-.Ltmp3, $4  }
0xbb: {  	s17 =	sand.u32 $0x70, s12;
	s18 =	sadd.s32 s20, s0;
	v6 =	vmov v2  }
0xbc: {  	v7 =	vshll.u32 v5, $0xA;
	v2 =	vld [tilespmem:s7+$0x15C00];
	s7 =	smov.u32 s8;
	s8 =	sor.u32 s17, s18  }
0xbd: {  	vm0 =	vgt.s32 v6, $0x0;
	v5 =	vld [tilespmem:s8+$0x13C00];
	v7 =	vadd.s32 s9, v7;
	s9 =	smov.u32 s0  }
0xbe: {  	v6 =	vnsel vm0, $0x0, v4;
	v7 =	vor.u32 s13, v7;
	v4 =	vld.idx.msk [tilespmem:v8+s25+$0x0], $0xffff;
	s13 =	smov.u32 s17  }
0xbf: {  	_ =	sdelay $0x2  }
0xc0: {  	v5 =	vshll.u32 v5, $0xA  }
0xc1: {  	v7 =	vor.u32 v0, v7;
	v5 =	vadd.s32 s9, v5  }
0xc2: {  	v5 =	vor.u32 s13, v5  }
0xc3: {  	v5 =	vor.u32 v0, v5;
	_ =	sdelay $0x1  }
0xc4: {  	v8 =	vld [tilespmem:s7+$0x15C00]  }
0xc5: {  	v7 =	vld.idx.msk [tilespmem:v7+s25+$0x0], $0xffff  }
0xc6: {  	v9 =	vld [tilespmem:s8+$0x15C00]  }
0xc7: {  	v3 =	vadd.f32 v6, v3;
	s0 =	sadd.s32 @!p0 s31, s14;
	s7 =	simm.s32 @!p0 $0x400;
	vm0 =	vgt.s32 v2, $0x0;
	v2 =	vld.idx.msk [tilespmem:v5+s25+$0x0], $0xffff  }
0xc8: {  	s8 =	simm.s32 @!p0 $0x40000;
	p1 =	sne.s32 @!p0 s19, $0x8;
	v4 =	vnsel vm0, $0x0, v4;
	s9 =	simm.s32 @!p0 $0xE400  }
0xc9: {  	v3 =	vadd.f32 v4, v3;
	vm14 =	vgt.s32 v8, $0x0;
	[tilespmem:s9], [sflag:$0x4] =	stream.strided.gather @!p0 [hbm4b:s0+s7], $0x4C00, s8, s7, $0x38;
	[tilespmem:$0x17080] =	vst v63  }
0xca: {  	v63 =	vnsel vm14, $0x0, v7;
	p0 =	por p0, !p1  }
.Ltmp4:
0xcb: {  	vm15 =	vgt.s32 v9, $0x0;
	v3 =	vadd.f32 v63, v3;
	(pc) =	sbr.rel @!p0 .LBB2_2-.Ltmp4, $3  }
0xcc: {  	v2 =	vnsel vm15, $0x0, v2  }
0xcd: {  	v2 =	vadd.f32 v2, v3;
	_ =	sdelay $0x1  }
0xce: {  	v1 =	vadd.f32 v2, v1  }
0xcf: {  	_ = 	snop  }
0xd0: {  	s0 =	rddreg [dreg:$0xa];
	s7 =	simm.s32 $0x17000;
	s20 =	simm.s32 $0x9;
	[tilespmem:$0x17000] =	vst v1  }
0xd1: {  	[hbm4b:s0+s4] =	stream.linear.scatter [tilespmem:s7], [sflag:$0x9], $0x80, $0x38;
	[tilespmem:$0x17080] =	vst v63  }
0xd2: {  	_ =	swait.ge [sflag:s20], $0x80  }
0xd3: {  	s3 =	sadd.s32 $0x1, s3;
	s31 =	rddreg [dreg:$0xb]  }
0xd4: {  	p0 =	sne.s32 s3, s31  }
.Ltmp5:
0xd5: {  	_ = 	snop;
	(pc) =	sbr.rel @p0 .LBB2_1-.Ltmp5, $3  }
0xd6: {  	_ =	sdelay $0x1  }
0xd7: {  	[sflag:s20] =	ssyncset.done $0x0  }
0xd8: {  	[sflag:s20] =	ssyncadd.s32 $0xFFFFFF80  }
0xd9: {  	_ =	sfence.sel $0x180000  }
0xda: {  	[bflag:$0x0] =	sbarrier.arrive $0xFFFF  }
0xdb: {  	_ =	strace $0x90000047  }
0xdc: {  	s0 =	stileid.u32;
	[bflag:$0x2] =	sbarrier.arrive $0xFFFF  }
0xdd: {  	p0 =	sne.s32 s0, $0x0;
	s0 =	rddreg [dreg:$0x3]  }
0xde: {  	s0 =	sadd.s32 @!p0 $0x100000, s0  }
0xdf: {  	[sflag:s0] =	ssyncadd.tile.s32 @!p0 $0x1;
	_ =	shalt  }
.Lfunc_end2:
_tile_overlayer_lowered:
.L_overlay_start_2:
0xe0: {  	(tag) =	ssettag $0x2  }
0xe1: {  	s0 =	rddreg [dreg:$0x0];
	s2 =	stileid.u32  }
0xe2: {  	s1 =	rddreg [dreg:$0x1];
	p0 =	sne.s32 s2, $0x0  }
0xe3: {  	s3 =	rddreg [dreg:$0x2];
	[bflag:$0x3] =	sbarrier.arrive $0xFFFF;
	s2 =	simm.s32 @!p0 $0x1C09  }
0xe4: {  	[timem:s3], [sflag:s2] =	dma.local @!p0 [hbm:s0], s1  }
0xe5: {  	s0 =	simm.s32 @!p0 $0x9  }
0xe6: {  	_ =	swait.ge @!p0 [sflag:s0], s1  }
0xe7: {  	s1 =	ssub.s32 @!p0 $0x0, s1;
	[sflag:s0] =	ssyncset.done @!p0 $0x0  }
0xe8: {  	[sflag:s0] =	ssyncadd.s32 @!p0 s1  }
0xe9: {  	[bflag:$0x3] =	sbarrier.arrive $0xFFFF  }
0xea: {  	_ =	shalt  }

</sc_bundles>
